<compile_context>
chip_gen: v7x
topology: tpu7x:2x2x1
jax: 0.10.2.dev20260603
libtpu: 0.0.44.dev20260713+nightly
codegen_flags: <defaults>
</compile_context>

<pallas_src>
import functools

import jax
import jax.numpy as jnp
from jax import lax
from jax.experimental import pallas as pl
from jax.experimental.pallas import tpu as pltpu
from jax.experimental.pallas import tpu_sc as plsc

N_NODES = 10000
N_EDGES = 320000
DIM = 128

N_PAD = 10240
ROWS_PER_TILE = 640
NUM_CORES = 2
NUM_SUBCORES = 16
NUM_WORKERS = NUM_CORES * NUM_SUBCORES
EDGES_PER_WORKER = N_EDGES // NUM_WORKERS
CHUNK = 200
ROUNDS = EDGES_PER_WORKER // CHUNK


def _sc_scatter(dst_i32, edge_attr, zrow, zdeg, ones):
    mesh = plsc.VectorSubcoreMesh(core_axis_name="c", subcore_axis_name="s")

    @functools.partial(
        pl.kernel,
        mesh=mesh,
        out_type=[
            jax.ShapeDtypeStruct((NUM_CORES, N_PAD, DIM), jnp.float32),
            jax.ShapeDtypeStruct((NUM_CORES, N_PAD), jnp.float32),
        ],
        scratch_types=[
            pltpu.VMEM((CHUNK,), jnp.int32),
            pltpu.VMEM((CHUNK, DIM), jnp.float32),
            pltpu.VMEM((CHUNK,), jnp.float32),
            pltpu.VMEM((ROWS_PER_TILE,), jnp.float32),
            pltpu.VMEM_SHARED((N_PAD, DIM), jnp.float32),
            pltpu.VMEM_SHARED((N_PAD,), jnp.float32),
        ],
    )
    def scatter_kernel(dst_hbm, attr_hbm, zrow_hbm, zdeg_hbm, ones_hbm,
                       agg_out, deg_out, idx_v, rows_v, ones_v, degc_v,
                       agg_s, deg_s):
        c = lax.axis_index("c")
        s = lax.axis_index("s")
        wid = c * NUM_SUBCORES + s

        pieces = [(0, CHUNK), (CHUNK, CHUNK), (2 * CHUNK, CHUNK),
                  (3 * CHUNK, ROWS_PER_TILE - 3 * CHUNK)]

        row0 = pl.multiple_of(s * ROWS_PER_TILE, 8)
        pltpu.sync_copy(zrow_hbm, rows_v)
        pltpu.sync_copy(zdeg_hbm, degc_v)
        for off, sz in pieces:
            r = pl.multiple_of(row0 + off, 8)
            pltpu.sync_copy(rows_v.at[pl.ds(0, sz)], agg_s.at[pl.ds(r, sz)])
        pltpu.sync_copy(degc_v, deg_s.at[pl.ds(row0, ROWS_PER_TILE)])
        pltpu.sync_copy(ones_hbm, ones_v)
        plsc.subcore_barrier()

        base = wid * EDGES_PER_WORKER

        def body(j, carry):
            e0 = pl.multiple_of(base + j * CHUNK, 8)
            pltpu.sync_copy(dst_hbm.at[pl.ds(e0, CHUNK)], idx_v)
            pltpu.sync_copy(attr_hbm.at[pl.ds(e0, CHUNK)], rows_v)
            pltpu.sync_copy(rows_v, agg_s.at[idx_v], add=True)
            pltpu.sync_copy(ones_v, deg_s.at[idx_v], add=True)
            return carry

        lax.fori_loop(0, ROUNDS, body, 0)
        plsc.subcore_barrier()

        for off, sz in pieces:
            r = pl.multiple_of(row0 + off, 8)
            pltpu.sync_copy(agg_s.at[pl.ds(r, sz)], rows_v.at[pl.ds(0, sz)])
            pltpu.sync_copy(rows_v.at[pl.ds(0, sz)], agg_out.at[c, pl.ds(r, sz)])
        pltpu.sync_copy(deg_s.at[pl.ds(row0, ROWS_PER_TILE)], degc_v)
        pltpu.sync_copy(degc_v, deg_out.at[c, pl.ds(row0, ROWS_PER_TILE)])

    return scatter_kernel(dst_i32, edge_attr, zrow, zdeg, ones)


def _tc_combine_body(x_ref, agg_ref, deg_ref, ws_ref, wn_ref, b_ref, o_ref):
    x = x_ref[...]
    agg = agg_ref[0] + agg_ref[1]
    deg = jnp.maximum(deg_ref[0] + deg_ref[1], 1.0)
    aggm = agg / deg
    out_self = lax.dot_general(x, ws_ref[...], (((1,), (1,)), ((), ())),
                               preferred_element_type=jnp.float32)
    out_neigh = lax.dot_general(aggm, wn_ref[...], (((1,), (1,)), ((), ())),
                                preferred_element_type=jnp.float32)
    o_ref[...] = out_self + out_neigh + b_ref[...]


def _tc_combine(x, agg, deg, W_self, W_neigh, bias):
    blk = 2000
    grid = (N_NODES // blk,)
    return pl.pallas_call(
        _tc_combine_body,
        grid=grid,
        in_specs=[
            pl.BlockSpec((blk, DIM), lambda i: (i, 0)),
            pl.BlockSpec((NUM_CORES, blk, DIM), lambda i: (0, i, 0)),
            pl.BlockSpec((NUM_CORES, blk, 1), lambda i: (0, i, 0)),
            pl.BlockSpec((DIM, DIM), lambda i: (0, 0)),
            pl.BlockSpec((DIM, DIM), lambda i: (0, 0)),
            pl.BlockSpec((DIM,), lambda i: (0,)),
        ],
        out_specs=pl.BlockSpec((blk, DIM), lambda i: (i, 0)),
        out_shape=jax.ShapeDtypeStruct((N_NODES, DIM), jnp.float32),
    )(x, agg, deg, W_self, W_neigh, bias)


def kernel(x, edge_index, edge_attr, W_self, W_neigh, bias):
    dst = edge_index[1].astype(jnp.int32)
    zrow = jnp.zeros((CHUNK, DIM), jnp.float32)
    zdeg = jnp.zeros((ROWS_PER_TILE,), jnp.float32)
    ones = jnp.ones((CHUNK,), jnp.float32)
    agg, deg = _sc_scatter(dst, edge_attr, zrow, zdeg, ones)
    deg = deg.reshape(NUM_CORES, N_PAD, 1)
    return _tc_combine(x, agg, deg, W_self, W_neigh, bias)

# --- scband reference (transcript-rebuilt; emitter-appended) ---
"""Pipeline reference for scband-edge-feature-sageconv-30339648979089 (READ-ONLY COPY).

The authoritative reference and input builder live on the scoring server;
editing this copy changes nothing except your own understanding.
"""

import jax, jax.numpy as jnp
import numpy as np

N_NODES = 10000
N_EDGES = 320000
IN_DIM = 128
OUT_DIM = 128


def setup_inputs(seed: int = 0) -> dict:
    key = jax.random.key(seed)
    k1, k2, k3, k4, k5 = jax.random.split(key, 5)
    x = jax.random.normal(k1, (N_NODES, IN_DIM), dtype=jnp.float32)
    edge_index = jax.random.randint(k2, (2, N_EDGES), 0, N_NODES, dtype=jnp.int64)
    edge_attr = jax.random.normal(k3, (N_EDGES, IN_DIM), dtype=jnp.float32)
    # learned parameters (nn.Linear weights: [out_dim, in_dim], y = x @ W.T)
    W_self = jax.random.normal(k4, (OUT_DIM, IN_DIM), dtype=jnp.float32) * (1.0 / np.sqrt(IN_DIM))
    W_neigh = jax.random.normal(k5, (OUT_DIM, IN_DIM), dtype=jnp.float32) * (1.0 / np.sqrt(IN_DIM))
    bias = jnp.zeros((OUT_DIM,), dtype=jnp.float32)
    return {"x": x, "edge_index": edge_index, "edge_attr": edge_attr,
            "W_self": W_self, "W_neigh": W_neigh, "bias": bias}


def reference(x, edge_index, edge_attr, W_self, W_neigh, bias):
    src = edge_index[0]
    dst = edge_index[1]
    num_nodes = x.shape[0]
    # self transform
    out_self = x @ W_self.T
    # mean aggregation of incident edge features by destination node
    ones = jnp.ones((edge_index.shape[1],), dtype=x.dtype)
    degree = jnp.zeros((num_nodes,), dtype=x.dtype).at[dst].add(ones)
    degree = jnp.clip(degree, 1.0, None)
    aggregated = jnp.zeros((num_nodes, edge_attr.shape[1]), dtype=x.dtype).at[dst].add(edge_attr)
    aggregated = aggregated / degree[:, None]
    out_neigh = aggregated @ W_neigh.T
    return out_self + out_neigh + bias

if __name__ == "__main__":
    import jax
    _d = setup_inputs()
    print(jax.jit(kernel)(*tuple(_d.values())))

</pallas_src>

<mosaic_0001>
#map = affine_map<(d0, d1) -> (0)>
#map1 = affine_map<(d0, d1) -> (0, 0)>
#map2 = affine_map<(d0, d1) -> (0, 0, 0)>
module attributes {stable_mosaic.version = 14 : i64} {
  func.func @scatter_kernel(%arg0: i32, %arg1: i32, %arg2: memref<320000xi32, #tpu.memory_space<hbm>>, %arg3: memref<320000x128xf32, #tpu.memory_space<hbm>>, %arg4: memref<200x128xf32, #tpu.memory_space<hbm>>, %arg5: memref<640xf32, #tpu.memory_space<hbm>>, %arg6: memref<200xf32, #tpu.memory_space<hbm>>, %arg7: memref<2x10240x128xf32, #tpu.memory_space<hbm>>, %arg8: memref<2x10240xf32, #tpu.memory_space<hbm>>, %arg9: memref<200xi32, #tpu.memory_space<vmem>>, %arg10: memref<200x128xf32, #tpu.memory_space<vmem>>, %arg11: memref<200xf32, #tpu.memory_space<vmem>>, %arg12: memref<640xf32, #tpu.memory_space<vmem>>, %arg13: memref<10240x128xf32, #tpu.memory_space<vmem_shared>>, %arg14: memref<10240xf32, #tpu.memory_space<vmem_shared>>) attributes {dimension_semantics = [#tpu.dimension_semantics<core_parallel>, #tpu.dimension_semantics<subcore_parallel>], iteration_bounds = array<i64: 2, 16>, scalar_prefetch = 0 : i64, scratch_operands = 6 : i64, tpu.core_type = #tpu.core_type<sc_vector_subcore>, window_params = [{transform_indices = #map}, {transform_indices = #map1}, {transform_indices = #map1}, {transform_indices = #map}, {transform_indices = #map}, {transform_indices = #map2}, {transform_indices = #map1}]} {
    %mul3A = arith.constant 16 : i32
    %mul3A_0 = arith.muli %arg0, %mul3A : i32
    %add3A = arith.addi %mul3A_0, %arg1 : i32
    %mul3A_1 = arith.constant 640 : i32
    %mul3A_2 = arith.muli %arg1, %mul3A_1 : i32
    %multiple_of3A = tpu.assume_multiple %mul3A_2, 8 : i32
    "tpu.region"() ({
      %run_scoped3A = tpu.sem_alloc : memref<!tpu.dma_semaphore, #tpu.memory_space<semaphore_mem>>
      tpu.enqueue_dma source(%arg4 : memref<200x128xf32, #tpu.memory_space<hbm>>) target(%arg10 : memref<200x128xf32, #tpu.memory_space<vmem>>) target_semaphore(%run_scoped3A : memref<!tpu.dma_semaphore, #tpu.memory_space<semaphore_mem>>)
      tpu.wait_dma2 semaphore(%run_scoped3A : memref<!tpu.dma_semaphore, #tpu.memory_space<semaphore_mem>>) src(%arg4 : memref<200x128xf32, #tpu.memory_space<hbm>>) dst(%arg10 : memref<200x128xf32, #tpu.memory_space<vmem>>)
      tpu.yield
    }) : () -> ()
    "tpu.region"() ({
      %run_scoped3A = tpu.sem_alloc : memref<!tpu.dma_semaphore, #tpu.memory_space<semaphore_mem>>
      tpu.enqueue_dma source(%arg5 : memref<640xf32, #tpu.memory_space<hbm>>) target(%arg12 : memref<640xf32, #tpu.memory_space<vmem>>) target_semaphore(%run_scoped3A : memref<!tpu.dma_semaphore, #tpu.memory_space<semaphore_mem>>)
      tpu.wait_dma2 semaphore(%run_scoped3A : memref<!tpu.dma_semaphore, #tpu.memory_space<semaphore_mem>>) src(%arg5 : memref<640xf32, #tpu.memory_space<hbm>>) dst(%arg12 : memref<640xf32, #tpu.memory_space<vmem>>)
      tpu.yield
    }) : () -> ()
    %add3A_3 = arith.constant 0 : i32
    %add3A_4 = arith.addi %multiple_of3A, %add3A_3 : i32
    %multiple_of3A_5 = tpu.assume_multiple %add3A_4, 8 : i32
    "tpu.region"() ({
      %run_scoped3A = tpu.sem_alloc : memref<!tpu.dma_semaphore, #tpu.memory_space<semaphore_mem>>
      %dma_start3A = arith.constant 0 : i32
      %dma_start3A_35 = arith.constant 0 : i32
      %dma_start3A_36 = tpu.memref_slice %arg10[%dma_start3A, %dma_start3A_35] : memref<200x128xf32, #tpu.memory_space<vmem>> -> memref<200x128xf32, #tpu.memory_space<vmem>>
      %dma_start3A_37 = arith.constant 0 : i32
      %dma_start3A_38 = tpu.memref_slice %arg13[%multiple_of3A_5, %dma_start3A_37] : memref<10240x128xf32, #tpu.memory_space<vmem_shared>> -> memref<200x128xf32, #tpu.memory_space<vmem_shared>>
      %dma_start3A_39 = arith.constant 0 : i32
      %dma_start3A_40 = tpu.memref_slice %arg13[%multiple_of3A_5, %dma_start3A_39] : memref<10240x128xf32, #tpu.memory_space<vmem_shared>> -> memref<200x128xf32, #tpu.memory_space<vmem_shared>>
      %dma_start3A_41 = arith.constant 0 : i32
      %dma_start3A_42 = arith.constant 0 : i32
      %dma_start3A_43 = tpu.memref_slice %arg10[%dma_start3A_41, %dma_start3A_42] : memref<200x128xf32, #tpu.memory_space<vmem>> -> memref<200x128xf32, #tpu.memory_space<vmem>>
      tpu.enqueue_dma source(%dma_start3A_43 : memref<200x128xf32, #tpu.memory_space<vmem>>) target(%dma_start3A_40 : memref<200x128xf32, #tpu.memory_space<vmem_shared>>) target_semaphore(%run_scoped3A : memref<!tpu.dma_semaphore, #tpu.memory_space<semaphore_mem>>)
      %dma_wait3A = arith.constant 0 : i32
      %dma_wait3A_44 = arith.constant 0 : i32
      %dma_wait3A_45 = tpu.memref_slice %arg10[%dma_wait3A, %dma_wait3A_44] : memref<200x128xf32, #tpu.memory_space<vmem>> -> memref<200x128xf32, #tpu.memory_space<vmem>>
      %dma_wait3A_46 = arith.constant 0 : i32
      %dma_wait3A_47 = tpu.memref_slice %arg13[%multiple_of3A_5, %dma_wait3A_46] : memref<10240x128xf32, #tpu.memory_space<vmem_shared>> -> memref<200x128xf32, #tpu.memory_space<vmem_shared>>
      %dma_wait3A_48 = arith.constant 0 : i32
      %dma_wait3A_49 = tpu.memref_slice %arg13[%multiple_of3A_5, %dma_wait3A_48] : memref<10240x128xf32, #tpu.memory_space<vmem_shared>> -> memref<200x128xf32, #tpu.memory_space<vmem_shared>>
      %dma_wait3A_50 = arith.constant 0 : i32
      %dma_wait3A_51 = arith.constant 0 : i32
      %dma_wait3A_52 = tpu.memref_slice %arg10[%dma_wait3A_50, %dma_wait3A_51] : memref<200x128xf32, #tpu.memory_space<vmem>> -> memref<200x128xf32, #tpu.memory_space<vmem>>
      tpu.wait_dma2 semaphore(%run_scoped3A : memref<!tpu.dma_semaphore, #tpu.memory_space<semaphore_mem>>) src(%dma_wait3A_52 : memref<200x128xf32, #tpu.memory_space<vmem>>) dst(%dma_wait3A_49 : memref<200x128xf32, #tpu.memory_space<vmem_shared>>)
      tpu.yield
    }) : () -> ()
    %add3A_6 = arith.constant 200 : i32
    %add3A_7 = arith.addi %multiple_of3A, %add3A_6 : i32
    %multiple_of3A_8 = tpu.assume_multiple %add3A_7, 8 : i32
    "tpu.region"() ({
      %run_scoped3A = tpu.sem_alloc : memref<!tpu.dma_semaphore, #tpu.memory_space<semaphore_mem>>
      %dma_start3A = arith.constant 0 : i32
      %dma_start3A_35 = arith.constant 0 : i32
      %dma_start3A_36 = tpu.memref_slice %arg10[%dma_start3A, %dma_start3A_35] : memref<200x128xf32, #tpu.memory_space<vmem>> -> memref<200x128xf32, #tpu.memory_space<vmem>>
      %dma_start3A_37 = arith.constant 0 : i32
      %dma_start3A_38 = tpu.memref_slice %arg13[%multiple_of3A_8, %dma_start3A_37] : memref<10240x128xf32, #tpu.memory_space<vmem_shared>> -> memref<200x128xf32, #tpu.memory_space<vmem_shared>>
      %dma_start3A_39 = arith.constant 0 : i32
      %dma_start3A_40 = tpu.memref_slice %arg13[%multiple_of3A_8, %dma_start3A_39] : memref<10240x128xf32, #tpu.memory_space<vmem_shared>> -> memref<200x128xf32, #tpu.memory_space<vmem_shared>>
      %dma_start3A_41 = arith.constant 0 : i32
      %dma_start3A_42 = arith.constant 0 : i32
      %dma_start3A_43 = tpu.memref_slice %arg10[%dma_start3A_41, %dma_start3A_42] : memref<200x128xf32, #tpu.memory_space<vmem>> -> memref<200x128xf32, #tpu.memory_space<vmem>>
      tpu.enqueue_dma source(%dma_start3A_43 : memref<200x128xf32, #tpu.memory_space<vmem>>) target(%dma_start3A_40 : memref<200x128xf32, #tpu.memory_space<vmem_shared>>) target_semaphore(%run_scoped3A : memref<!tpu.dma_semaphore, #tpu.memory_space<semaphore_mem>>)
      %dma_wait3A = arith.constant 0 : i32
      %dma_wait3A_44 = arith.constant 0 : i32
      %dma_wait3A_45 = tpu.memref_slice %arg10[%dma_wait3A, %dma_wait3A_44] : memref<200x128xf32, #tpu.memory_space<vmem>> -> memref<200x128xf32, #tpu.memory_space<vmem>>
      %dma_wait3A_46 = arith.constant 0 : i32
      %dma_wait3A_47 = tpu.memref_slice %arg13[%multiple_of3A_8, %dma_wait3A_46] : memref<10240x128xf32, #tpu.memory_space<vmem_shared>> -> memref<200x128xf32, #tpu.memory_space<vmem_shared>>
      %dma_wait3A_48 = arith.constant 0 : i32
      %dma_wait3A_49 = tpu.memref_slice %arg13[%multiple_of3A_8, %dma_wait3A_48] : memref<10240x128xf32, #tpu.memory_space<vmem_shared>> -> memref<200x128xf32, #tpu.memory_space<vmem_shared>>
      %dma_wait3A_50 = arith.constant 0 : i32
      %dma_wait3A_51 = arith.constant 0 : i32
      %dma_wait3A_52 = tpu.memref_slice %arg10[%dma_wait3A_50, %dma_wait3A_51] : memref<200x128xf32, #tpu.memory_space<vmem>> -> memref<200x128xf32, #tpu.memory_space<vmem>>
      tpu.wait_dma2 semaphore(%run_scoped3A : memref<!tpu.dma_semaphore, #tpu.memory_space<semaphore_mem>>) src(%dma_wait3A_52 : memref<200x128xf32, #tpu.memory_space<vmem>>) dst(%dma_wait3A_49 : memref<200x128xf32, #tpu.memory_space<vmem_shared>>)
      tpu.yield
    }) : () -> ()
    %add3A_9 = arith.constant 400 : i32
    %add3A_10 = arith.addi %multiple_of3A, %add3A_9 : i32
    %multiple_of3A_11 = tpu.assume_multiple %add3A_10, 8 : i32
    "tpu.region"() ({
      %run_scoped3A = tpu.sem_alloc : memref<!tpu.dma_semaphore, #tpu.memory_space<semaphore_mem>>
      %dma_start3A = arith.constant 0 : i32
      %dma_start3A_35 = arith.constant 0 : i32
      %dma_start3A_36 = tpu.memref_slice %arg10[%dma_start3A, %dma_start3A_35] : memref<200x128xf32, #tpu.memory_space<vmem>> -> memref<200x128xf32, #tpu.memory_space<vmem>>
      %dma_start3A_37 = arith.constant 0 : i32
      %dma_start3A_38 = tpu.memref_slice %arg13[%multiple_of3A_11, %dma_start3A_37] : memref<10240x128xf32, #tpu.memory_space<vmem_shared>> -> memref<200x128xf32, #tpu.memory_space<vmem_shared>>
      %dma_start3A_39 = arith.constant 0 : i32
      %dma_start3A_40 = tpu.memref_slice %arg13[%multiple_of3A_11, %dma_start3A_39] : memref<10240x128xf32, #tpu.memory_space<vmem_shared>> -> memref<200x128xf32, #tpu.memory_space<vmem_shared>>
      %dma_start3A_41 = arith.constant 0 : i32
      %dma_start3A_42 = arith.constant 0 : i32
      %dma_start3A_43 = tpu.memref_slice %arg10[%dma_start3A_41, %dma_start3A_42] : memref<200x128xf32, #tpu.memory_space<vmem>> -> memref<200x128xf32, #tpu.memory_space<vmem>>
      tpu.enqueue_dma source(%dma_start3A_43 : memref<200x128xf32, #tpu.memory_space<vmem>>) target(%dma_start3A_40 : memref<200x128xf32, #tpu.memory_space<vmem_shared>>) target_semaphore(%run_scoped3A : memref<!tpu.dma_semaphore, #tpu.memory_space<semaphore_mem>>)
      %dma_wait3A = arith.constant 0 : i32
      %dma_wait3A_44 = arith.constant 0 : i32
      %dma_wait3A_45 = tpu.memref_slice %arg10[%dma_wait3A, %dma_wait3A_44] : memref<200x128xf32, #tpu.memory_space<vmem>> -> memref<200x128xf32, #tpu.memory_space<vmem>>
      %dma_wait3A_46 = arith.constant 0 : i32
      %dma_wait3A_47 = tpu.memref_slice %arg13[%multiple_of3A_11, %dma_wait3A_46] : memref<10240x128xf32, #tpu.memory_space<vmem_shared>> -> memref<200x128xf32, #tpu.memory_space<vmem_shared>>
      %dma_wait3A_48 = arith.constant 0 : i32
      %dma_wait3A_49 = tpu.memref_slice %arg13[%multiple_of3A_11, %dma_wait3A_48] : memref<10240x128xf32, #tpu.memory_space<vmem_shared>> -> memref<200x128xf32, #tpu.memory_space<vmem_shared>>
      %dma_wait3A_50 = arith.constant 0 : i32
      %dma_wait3A_51 = arith.constant 0 : i32
      %dma_wait3A_52 = tpu.memref_slice %arg10[%dma_wait3A_50, %dma_wait3A_51] : memref<200x128xf32, #tpu.memory_space<vmem>> -> memref<200x128xf32, #tpu.memory_space<vmem>>
      tpu.wait_dma2 semaphore(%run_scoped3A : memref<!tpu.dma_semaphore, #tpu.memory_space<semaphore_mem>>) src(%dma_wait3A_52 : memref<200x128xf32, #tpu.memory_space<vmem>>) dst(%dma_wait3A_49 : memref<200x128xf32, #tpu.memory_space<vmem_shared>>)
      tpu.yield
    }) : () -> ()
    %add3A_12 = arith.constant 600 : i32
    %add3A_13 = arith.addi %multiple_of3A, %add3A_12 : i32
    %multiple_of3A_14 = tpu.assume_multiple %add3A_13, 8 : i32
    "tpu.region"() ({
      %run_scoped3A = tpu.sem_alloc : memref<!tpu.dma_semaphore, #tpu.memory_space<semaphore_mem>>
      %dma_start3A = arith.constant 0 : i32
      %dma_start3A_35 = arith.constant 0 : i32
      %dma_start3A_36 = tpu.memref_slice %arg10[%dma_start3A, %dma_start3A_35] : memref<200x128xf32, #tpu.memory_space<vmem>> -> memref<40x128xf32, #tpu.memory_space<vmem>>
      %dma_start3A_37 = arith.constant 0 : i32
      %dma_start3A_38 = tpu.memref_slice %arg13[%multiple_of3A_14, %dma_start3A_37] : memref<10240x128xf32, #tpu.memory_space<vmem_shared>> -> memref<40x128xf32, #tpu.memory_space<vmem_shared>>
      %dma_start3A_39 = arith.constant 0 : i32
      %dma_start3A_40 = tpu.memref_slice %arg13[%multiple_of3A_14, %dma_start3A_39] : memref<10240x128xf32, #tpu.memory_space<vmem_shared>> -> memref<40x128xf32, #tpu.memory_space<vmem_shared>>
      %dma_start3A_41 = arith.constant 0 : i32
      %dma_start3A_42 = arith.constant 0 : i32
      %dma_start3A_43 = tpu.memref_slice %arg10[%dma_start3A_41, %dma_start3A_42] : memref<200x128xf32, #tpu.memory_space<vmem>> -> memref<40x128xf32, #tpu.memory_space<vmem>>
      tpu.enqueue_dma source(%dma_start3A_43 : memref<40x128xf32, #tpu.memory_space<vmem>>) target(%dma_start3A_40 : memref<40x128xf32, #tpu.memory_space<vmem_shared>>) target_semaphore(%run_scoped3A : memref<!tpu.dma_semaphore, #tpu.memory_space<semaphore_mem>>)
      %dma_wait3A = arith.constant 0 : i32
      %dma_wait3A_44 = arith.constant 0 : i32
      %dma_wait3A_45 = tpu.memref_slice %arg10[%dma_wait3A, %dma_wait3A_44] : memref<200x128xf32, #tpu.memory_space<vmem>> -> memref<40x128xf32, #tpu.memory_space<vmem>>
      %dma_wait3A_46 = arith.constant 0 : i32
      %dma_wait3A_47 = tpu.memref_slice %arg13[%multiple_of3A_14, %dma_wait3A_46] : memref<10240x128xf32, #tpu.memory_space<vmem_shared>> -> memref<40x128xf32, #tpu.memory_space<vmem_shared>>
      %dma_wait3A_48 = arith.constant 0 : i32
      %dma_wait3A_49 = tpu.memref_slice %arg13[%multiple_of3A_14, %dma_wait3A_48] : memref<10240x128xf32, #tpu.memory_space<vmem_shared>> -> memref<40x128xf32, #tpu.memory_space<vmem_shared>>
      %dma_wait3A_50 = arith.constant 0 : i32
      %dma_wait3A_51 = arith.constant 0 : i32
      %dma_wait3A_52 = tpu.memref_slice %arg10[%dma_wait3A_50, %dma_wait3A_51] : memref<200x128xf32, #tpu.memory_space<vmem>> -> memref<40x128xf32, #tpu.memory_space<vmem>>
      tpu.wait_dma2 semaphore(%run_scoped3A : memref<!tpu.dma_semaphore, #tpu.memory_space<semaphore_mem>>) src(%dma_wait3A_52 : memref<40x128xf32, #tpu.memory_space<vmem>>) dst(%dma_wait3A_49 : memref<40x128xf32, #tpu.memory_space<vmem_shared>>)
      tpu.yield
    }) : () -> ()
    "tpu.region"() ({
      %run_scoped3A = tpu.sem_alloc : memref<!tpu.dma_semaphore, #tpu.memory_space<semaphore_mem>>
      %dma_start3A = tpu.memref_slice %arg14[%multiple_of3A] : memref<10240xf32, #tpu.memory_space<vmem_shared>> -> memref<640xf32, #tpu.memory_space<vmem_shared>>
      %dma_start3A_35 = tpu.memref_slice %arg14[%multiple_of3A] : memref<10240xf32, #tpu.memory_space<vmem_shared>> -> memref<640xf32, #tpu.memory_space<vmem_shared>>
      tpu.enqueue_dma source(%arg12 : memref<640xf32, #tpu.memory_space<vmem>>) target(%dma_start3A_35 : memref<640xf32, #tpu.memory_space<vmem_shared>>) target_semaphore(%run_scoped3A : memref<!tpu.dma_semaphore, #tpu.memory_space<semaphore_mem>>)
      %dma_wait3A = tpu.memref_slice %arg14[%multiple_of3A] : memref<10240xf32, #tpu.memory_space<vmem_shared>> -> memref<640xf32, #tpu.memory_space<vmem_shared>>
      %dma_wait3A_36 = tpu.memref_slice %arg14[%multiple_of3A] : memref<10240xf32, #tpu.memory_space<vmem_shared>> -> memref<640xf32, #tpu.memory_space<vmem_shared>>
      tpu.wait_dma2 semaphore(%run_scoped3A : memref<!tpu.dma_semaphore, #tpu.memory_space<semaphore_mem>>) src(%arg12 : memref<640xf32, #tpu.memory_space<vmem>>) dst(%dma_wait3A_36 : memref<640xf32, #tpu.memory_space<vmem_shared>>)
      tpu.yield
    }) : () -> ()
    "tpu.region"() ({
      %run_scoped3A = tpu.sem_alloc : memref<!tpu.dma_semaphore, #tpu.memory_space<semaphore_mem>>
      tpu.enqueue_dma source(%arg6 : memref<200xf32, #tpu.memory_space<hbm>>) target(%arg11 : memref<200xf32, #tpu.memory_space<vmem>>) target_semaphore(%run_scoped3A : memref<!tpu.dma_semaphore, #tpu.memory_space<semaphore_mem>>)
      tpu.wait_dma2 semaphore(%run_scoped3A : memref<!tpu.dma_semaphore, #tpu.memory_space<semaphore_mem>>) src(%arg6 : memref<200xf32, #tpu.memory_space<hbm>>) dst(%arg11 : memref<200xf32, #tpu.memory_space<vmem>>)
      tpu.yield
    }) : () -> ()
    %barrier3A = arith.constant 0 : index
    tpu.barrier barrier_id(%barrier3A)
    %mul3A_15 = arith.constant 10000 : i32
    %mul3A_16 = arith.muli %add3A, %mul3A_15 : i32
    %scan3A = arith.constant 0 : i32
    %scan3A_17 = arith.constant 0 : i32
    %scan3A_18 = arith.constant 50 : i32
    %scan3A_19 = arith.addi %scan3A_17, %scan3A_18 : i32
    %scan3A_20 = arith.constant 1 : i32
    scf.for %scan3A_35 = %scan3A_17 to %scan3A_19 step %scan3A_20  : i32 {
      %mul3A_36 = arith.constant 200 : i32
      %mul3A_37 = arith.muli %scan3A_35, %mul3A_36 : i32
      %add3A_38 = arith.addi %mul3A_16, %mul3A_37 : i32
      %multiple_of3A_39 = tpu.assume_multiple %add3A_38, 8 : i32
      "tpu.region"() ({
        %run_scoped3A = tpu.sem_alloc : memref<!tpu.dma_semaphore, #tpu.memory_space<semaphore_mem>>
        %dma_start3A = tpu.memref_slice %arg2[%multiple_of3A_39] : memref<320000xi32, #tpu.memory_space<hbm>> -> memref<200xi32, #tpu.memory_space<hbm>>
        %dma_start3A_40 = tpu.memref_slice %arg2[%multiple_of3A_39] : memref<320000xi32, #tpu.memory_space<hbm>> -> memref<200xi32, #tpu.memory_space<hbm>>
        tpu.enqueue_dma source(%dma_start3A_40 : memref<200xi32, #tpu.memory_space<hbm>>) target(%arg9 : memref<200xi32, #tpu.memory_space<vmem>>) target_semaphore(%run_scoped3A : memref<!tpu.dma_semaphore, #tpu.memory_space<semaphore_mem>>)
        %dma_wait3A = tpu.memref_slice %arg2[%multiple_of3A_39] : memref<320000xi32, #tpu.memory_space<hbm>> -> memref<200xi32, #tpu.memory_space<hbm>>
        %dma_wait3A_41 = tpu.memref_slice %arg2[%multiple_of3A_39] : memref<320000xi32, #tpu.memory_space<hbm>> -> memref<200xi32, #tpu.memory_space<hbm>>
        tpu.wait_dma2 semaphore(%run_scoped3A : memref<!tpu.dma_semaphore, #tpu.memory_space<semaphore_mem>>) src(%dma_wait3A_41 : memref<200xi32, #tpu.memory_space<hbm>>) dst(%arg9 : memref<200xi32, #tpu.memory_space<vmem>>)
        tpu.yield
      }) : () -> ()
      "tpu.region"() ({
        %run_scoped3A = tpu.sem_alloc : memref<!tpu.dma_semaphore, #tpu.memory_space<semaphore_mem>>
        %dma_start3A = arith.constant 0 : i32
        %dma_start3A_40 = tpu.memref_slice %arg3[%multiple_of3A_39, %dma_start3A] : memref<320000x128xf32, #tpu.memory_space<hbm>> -> memref<200x128xf32, #tpu.memory_space<hbm>>
        %dma_start3A_41 = arith.constant 0 : i32
        %dma_start3A_42 = tpu.memref_slice %arg3[%multiple_of3A_39, %dma_start3A_41] : memref<320000x128xf32, #tpu.memory_space<hbm>> -> memref<200x128xf32, #tpu.memory_space<hbm>>
        tpu.enqueue_dma source(%dma_start3A_42 : memref<200x128xf32, #tpu.memory_space<hbm>>) target(%arg10 : memref<200x128xf32, #tpu.memory_space<vmem>>) target_semaphore(%run_scoped3A : memref<!tpu.dma_semaphore, #tpu.memory_space<semaphore_mem>>)
        %dma_wait3A = arith.constant 0 : i32
        %dma_wait3A_43 = tpu.memref_slice %arg3[%multiple_of3A_39, %dma_wait3A] : memref<320000x128xf32, #tpu.memory_space<hbm>> -> memref<200x128xf32, #tpu.memory_space<hbm>>
        %dma_wait3A_44 = arith.constant 0 : i32
        %dma_wait3A_45 = tpu.memref_slice %arg3[%multiple_of3A_39, %dma_wait3A_44] : memref<320000x128xf32, #tpu.memory_space<hbm>> -> memref<200x128xf32, #tpu.memory_space<hbm>>
        tpu.wait_dma2 semaphore(%run_scoped3A : memref<!tpu.dma_semaphore, #tpu.memory_space<semaphore_mem>>) src(%dma_wait3A_45 : memref<200x128xf32, #tpu.memory_space<hbm>>) dst(%arg10 : memref<200x128xf32, #tpu.memory_space<vmem>>)
        tpu.yield
      }) : () -> ()
      "tpu.region"() ({
        %run_scoped3A = tpu.sem_alloc : memref<!tpu.dma_semaphore, #tpu.memory_space<semaphore_mem>>
        %dma_start3A = arith.constant 0 : i32
        %dma_start3A_40 = arith.constant 0 : i32
        %dma_start3A_41 = tpu.memref_slice %arg13[%dma_start3A, %dma_start3A_40] : memref<10240x128xf32, #tpu.memory_space<vmem_shared>> -> memref<10240x128xf32, #tpu.memory_space<vmem_shared>>
        tpu.enqueue_indirect_dma source(%arg10 : memref<200x128xf32, #tpu.memory_space<vmem>>) target(%dma_start3A_41 : memref<10240x128xf32, #tpu.memory_space<vmem_shared>>) offsets(%arg9 : memref<200xi32, #tpu.memory_space<vmem>>) semaphore(%run_scoped3A : memref<!tpu.dma_semaphore, #tpu.memory_space<semaphore_mem>>) {add = true}
        %dma_wait3A = arith.constant 0 : i32
        %dma_wait3A_42 = arith.constant 0 : i32
        %dma_wait3A_43 = tpu.memref_slice %arg13[%dma_wait3A, %dma_wait3A_42] : memref<10240x128xf32, #tpu.memory_space<vmem_shared>> -> memref<10240x128xf32, #tpu.memory_space<vmem_shared>>
        tpu.wait_indirect_dma semaphore(%run_scoped3A : memref<!tpu.dma_semaphore, #tpu.memory_space<semaphore_mem>>) src(%arg10 : memref<200x128xf32, #tpu.memory_space<vmem>>) dst(%dma_wait3A_43 : memref<10240x128xf32, #tpu.memory_space<vmem_shared>>)
        tpu.yield
      }) : () -> ()
      "tpu.region"() ({
        %run_scoped3A = tpu.sem_alloc : memref<!tpu.dma_semaphore, #tpu.memory_space<semaphore_mem>>
        %dma_start3A = arith.constant 0 : i32
        %dma_start3A_40 = tpu.memref_slice %arg14[%dma_start3A] : memref<10240xf32, #tpu.memory_space<vmem_shared>> -> memref<10240xf32, #tpu.memory_space<vmem_shared>>
        tpu.enqueue_indirect_dma source(%arg11 : memref<200xf32, #tpu.memory_space<vmem>>) target(%dma_start3A_40 : memref<10240xf32, #tpu.memory_space<vmem_shared>>) offsets(%arg9 : memref<200xi32, #tpu.memory_space<vmem>>) semaphore(%run_scoped3A : memref<!tpu.dma_semaphore, #tpu.memory_space<semaphore_mem>>) {add = true}
        %dma_wait3A = arith.constant 0 : i32
        %dma_wait3A_41 = tpu.memref_slice %arg14[%dma_wait3A] : memref<10240xf32, #tpu.memory_space<vmem_shared>> -> memref<10240xf32, #tpu.memory_space<vmem_shared>>
        tpu.wait_indirect_dma semaphore(%run_scoped3A : memref<!tpu.dma_semaphore, #tpu.memory_space<semaphore_mem>>) src(%arg11 : memref<200xf32, #tpu.memory_space<vmem>>) dst(%dma_wait3A_41 : memref<10240xf32, #tpu.memory_space<vmem_shared>>)
        tpu.yield
      }) : () -> ()
    }
    %scan3A_21 = arith.constant 50 : i32
    %barrier3A_22 = arith.constant 0 : index
    tpu.barrier barrier_id(%barrier3A_22)
    %add3A_23 = arith.constant 0 : i32
    %add3A_24 = arith.addi %multiple_of3A, %add3A_23 : i32
    %multiple_of3A_25 = tpu.assume_multiple %add3A_24, 8 : i32
    "tpu.region"() ({
      %run_scoped3A = tpu.sem_alloc : memref<!tpu.dma_semaphore, #tpu.memory_space<semaphore_mem>>
      %dma_start3A = arith.constant 0 : i32
      %dma_start3A_35 = arith.constant 0 : i32
      %dma_start3A_36 = tpu.memref_slice %arg10[%dma_start3A, %dma_start3A_35] : memref<200x128xf32, #tpu.memory_space<vmem>> -> memref<200x128xf32, #tpu.memory_space<vmem>>
      %dma_start3A_37 = arith.constant 0 : i32
      %dma_start3A_38 = tpu.memref_slice %arg13[%multiple_of3A_25, %dma_start3A_37] : memref<10240x128xf32, #tpu.memory_space<vmem_shared>> -> memref<200x128xf32, #tpu.memory_space<vmem_shared>>
      %dma_start3A_39 = arith.constant 0 : i32
      %dma_start3A_40 = arith.constant 0 : i32
      %dma_start3A_41 = tpu.memref_slice %arg10[%dma_start3A_39, %dma_start3A_40] : memref<200x128xf32, #tpu.memory_space<vmem>> -> memref<200x128xf32, #tpu.memory_space<vmem>>
      %dma_start3A_42 = arith.constant 0 : i32
      %dma_start3A_43 = tpu.memref_slice %arg13[%multiple_of3A_25, %dma_start3A_42] : memref<10240x128xf32, #tpu.memory_space<vmem_shared>> -> memref<200x128xf32, #tpu.memory_space<vmem_shared>>
      tpu.enqueue_dma source(%dma_start3A_43 : memref<200x128xf32, #tpu.memory_space<vmem_shared>>) target(%dma_start3A_41 : memref<200x128xf32, #tpu.memory_space<vmem>>) target_semaphore(%run_scoped3A : memref<!tpu.dma_semaphore, #tpu.memory_space<semaphore_mem>>)
      %dma_wait3A = arith.constant 0 : i32
      %dma_wait3A_44 = arith.constant 0 : i32
      %dma_wait3A_45 = tpu.memref_slice %arg10[%dma_wait3A, %dma_wait3A_44] : memref<200x128xf32, #tpu.memory_space<vmem>> -> memref<200x128xf32, #tpu.memory_space<vmem>>
      %dma_wait3A_46 = arith.constant 0 : i32
      %dma_wait3A_47 = tpu.memref_slice %arg13[%multiple_of3A_25, %dma_wait3A_46] : memref<10240x128xf32, #tpu.memory_space<vmem_shared>> -> memref<200x128xf32, #tpu.memory_space<vmem_shared>>
      %dma_wait3A_48 = arith.constant 0 : i32
      %dma_wait3A_49 = arith.constant 0 : i32
      %dma_wait3A_50 = tpu.memref_slice %arg10[%dma_wait3A_48, %dma_wait3A_49] : memref<200x128xf32, #tpu.memory_space<vmem>> -> memref<200x128xf32, #tpu.memory_space<vmem>>
      %dma_wait3A_51 = arith.constant 0 : i32
      %dma_wait3A_52 = tpu.memref_slice %arg13[%multiple_of3A_25, %dma_wait3A_51] : memref<10240x128xf32, #tpu.memory_space<vmem_shared>> -> memref<200x128xf32, #tpu.memory_space<vmem_shared>>
      tpu.wait_dma2 semaphore(%run_scoped3A : memref<!tpu.dma_semaphore, #tpu.memory_space<semaphore_mem>>) src(%dma_wait3A_52 : memref<200x128xf32, #tpu.memory_space<vmem_shared>>) dst(%dma_wait3A_50 : memref<200x128xf32, #tpu.memory_space<vmem>>)
      tpu.yield
    }) : () -> ()
    "tpu.region"() ({
      %run_scoped3A = tpu.sem_alloc : memref<!tpu.dma_semaphore, #tpu.memory_space<semaphore_mem>>
      %dma_start3A = arith.constant 0 : i32
      %dma_start3A_35 = arith.constant 0 : i32
      %dma_start3A_36 = tpu.memref_slice %arg10[%dma_start3A, %dma_start3A_35] : memref<200x128xf32, #tpu.memory_space<vmem>> -> memref<200x128xf32, #tpu.memory_space<vmem>>
      %dma_start3A_37 = arith.constant 0 : i32
      %dma_start3A_38 = tpu.memref_slice %arg7[%arg0, %multiple_of3A_25, %dma_start3A_37] : memref<2x10240x128xf32, #tpu.memory_space<hbm>> -> memref<1x200x128xf32, #tpu.memory_space<hbm>>
      %dma_start3A_39 = tpu.memref_squeeze %dma_start3A_38 : memref<1x200x128xf32, #tpu.memory_space<hbm>> -> memref<200x128xf32, #tpu.memory_space<hbm>>
      %dma_start3A_40 = arith.constant 0 : i32
      %dma_start3A_41 = tpu.memref_slice %arg7[%arg0, %multiple_of3A_25, %dma_start3A_40] : memref<2x10240x128xf32, #tpu.memory_space<hbm>> -> memref<1x200x128xf32, #tpu.memory_space<hbm>>
      %dma_start3A_42 = tpu.memref_squeeze %dma_start3A_41 : memref<1x200x128xf32, #tpu.memory_space<hbm>> -> memref<200x128xf32, #tpu.memory_space<hbm>>
      %dma_start3A_43 = arith.constant 0 : i32
      %dma_start3A_44 = arith.constant 0 : i32
      %dma_start3A_45 = tpu.memref_slice %arg10[%dma_start3A_43, %dma_start3A_44] : memref<200x128xf32, #tpu.memory_space<vmem>> -> memref<200x128xf32, #tpu.memory_space<vmem>>
      tpu.enqueue_dma source(%dma_start3A_45 : memref<200x128xf32, #tpu.memory_space<vmem>>) target(%dma_start3A_42 : memref<200x128xf32, #tpu.memory_space<hbm>>) target_semaphore(%run_scoped3A : memref<!tpu.dma_semaphore, #tpu.memory_space<semaphore_mem>>)
      %dma_wait3A = arith.constant 0 : i32
      %dma_wait3A_46 = arith.constant 0 : i32
      %dma_wait3A_47 = tpu.memref_slice %arg10[%dma_wait3A, %dma_wait3A_46] : memref<200x128xf32, #tpu.memory_space<vmem>> -> memref<200x128xf32, #tpu.memory_space<vmem>>
      %dma_wait3A_48 = arith.constant 0 : i32
      %dma_wait3A_49 = tpu.memref_slice %arg7[%arg0, %multiple_of3A_25, %dma_wait3A_48] : memref<2x10240x128xf32, #tpu.memory_space<hbm>> -> memref<1x200x128xf32, #tpu.memory_space<hbm>>
      %dma_wait3A_50 = tpu.memref_squeeze %dma_wait3A_49 : memref<1x200x128xf32, #tpu.memory_space<hbm>> -> memref<200x128xf32, #tpu.memory_space<hbm>>
      %dma_wait3A_51 = arith.constant 0 : i32
      %dma_wait3A_52 = tpu.memref_slice %arg7[%arg0, %multiple_of3A_25, %dma_wait3A_51] : memref<2x10240x128xf32, #tpu.memory_space<hbm>> -> memref<1x200x128xf32, #tpu.memory_space<hbm>>
      %dma_wait3A_53 = tpu.memref_squeeze %dma_wait3A_52 : memref<1x200x128xf32, #tpu.memory_space<hbm>> -> memref<200x128xf32, #tpu.memory_space<hbm>>
      %dma_wait3A_54 = arith.constant 0 : i32
      %dma_wait3A_55 = arith.constant 0 : i32
      %dma_wait3A_56 = tpu.memref_slice %arg10[%dma_wait3A_54, %dma_wait3A_55] : memref<200x128xf32, #tpu.memory_space<vmem>> -> memref<200x128xf32, #tpu.memory_space<vmem>>
      tpu.wait_dma2 semaphore(%run_scoped3A : memref<!tpu.dma_semaphore, #tpu.memory_space<semaphore_mem>>) src(%dma_wait3A_56 : memref<200x128xf32, #tpu.memory_space<vmem>>) dst(%dma_wait3A_53 : memref<200x128xf32, #tpu.memory_space<hbm>>)
      tpu.yield
    }) : () -> ()
    %add3A_26 = arith.constant 200 : i32
    %add3A_27 = arith.addi %multiple_of3A, %add3A_26 : i32
    %multiple_of3A_28 = tpu.assume_multiple %add3A_27, 8 : i32
    "tpu.region"() ({
      %run_scoped3A = tpu.sem_alloc : memref<!tpu.dma_semaphore, #tpu.memory_space<semaphore_mem>>
      %dma_start3A = arith.constant 0 : i32
      %dma_start3A_35 = arith.constant 0 : i32
      %dma_start3A_36 = tpu.memref_slice %arg10[%dma_start3A, %dma_start3A_35] : memref<200x128xf32, #tpu.memory_space<vmem>> -> memref<200x128xf32, #tpu.memory_space<vmem>>
      %dma_start3A_37 = arith.constant 0 : i32
      %dma_start3A_38 = tpu.memref_slice %arg13[%multiple_of3A_28, %dma_start3A_37] : memref<10240x128xf32, #tpu.memory_space<vmem_shared>> -> memref<200x128xf32, #tpu.memory_space<vmem_shared>>
      %dma_start3A_39 = arith.constant 0 : i32
      %dma_start3A_40 = arith.constant 0 : i32
      %dma_start3A_41 = tpu.memref_slice %arg10[%dma_start3A_39, %dma_start3A_40] : memref<200x128xf32, #tpu.memory_space<vmem>> -> memref<200x128xf32, #tpu.memory_space<vmem>>
      %dma_start3A_42 = arith.constant 0 : i32
      %dma_start3A_43 = tpu.memref_slice %arg13[%multiple_of3A_28, %dma_start3A_42] : memref<10240x128xf32, #tpu.memory_space<vmem_shared>> -> memref<200x128xf32, #tpu.memory_space<vmem_shared>>
      tpu.enqueue_dma source(%dma_start3A_43 : memref<200x128xf32, #tpu.memory_space<vmem_shared>>) target(%dma_start3A_41 : memref<200x128xf32, #tpu.memory_space<vmem>>) target_semaphore(%run_scoped3A : memref<!tpu.dma_semaphore, #tpu.memory_space<semaphore_mem>>)
      %dma_wait3A = arith.constant 0 : i32
      %dma_wait3A_44 = arith.constant 0 : i32
      %dma_wait3A_45 = tpu.memref_slice %arg10[%dma_wait3A, %dma_wait3A_44] : memref<200x128xf32, #tpu.memory_space<vmem>> -> memref<200x128xf32, #tpu.memory_space<vmem>>
      %dma_wait3A_46 = arith.constant 0 : i32
      %dma_wait3A_47 = tpu.memref_slice %arg13[%multiple_of3A_28, %dma_wait3A_46] : memref<10240x128xf32, #tpu.memory_space<vmem_shared>> -> memref<200x128xf32, #tpu.memory_space<vmem_shared>>
      %dma_wait3A_48 = arith.constant 0 : i32
      %dma_wait3A_49 = arith.constant 0 : i32
      %dma_wait3A_50 = tpu.memref_slice %arg10[%dma_wait3A_48, %dma_wait3A_49] : memref<200x128xf32, #tpu.memory_space<vmem>> -> memref<200x128xf32, #tpu.memory_space<vmem>>
      %dma_wait3A_51 = arith.constant 0 : i32
      %dma_wait3A_52 = tpu.memref_slice %arg13[%multiple_of3A_28, %dma_wait3A_51] : memref<10240x128xf32, #tpu.memory_space<vmem_shared>> -> memref<200x128xf32, #tpu.memory_space<vmem_shared>>
      tpu.wait_dma2 semaphore(%run_scoped3A : memref<!tpu.dma_semaphore, #tpu.memory_space<semaphore_mem>>) src(%dma_wait3A_52 : memref<200x128xf32, #tpu.memory_space<vmem_shared>>) dst(%dma_wait3A_50 : memref<200x128xf32, #tpu.memory_space<vmem>>)
      tpu.yield
    }) : () -> ()
    "tpu.region"() ({
      %run_scoped3A = tpu.sem_alloc : memref<!tpu.dma_semaphore, #tpu.memory_space<semaphore_mem>>
      %dma_start3A = arith.constant 0 : i32
      %dma_start3A_35 = arith.constant 0 : i32
      %dma_start3A_36 = tpu.memref_slice %arg10[%dma_start3A, %dma_start3A_35] : memref<200x128xf32, #tpu.memory_space<vmem>> -> memref<200x128xf32, #tpu.memory_space<vmem>>
      %dma_start3A_37 = arith.constant 0 : i32
      %dma_start3A_38 = tpu.memref_slice %arg7[%arg0, %multiple_of3A_28, %dma_start3A_37] : memref<2x10240x128xf32, #tpu.memory_space<hbm>> -> memref<1x200x128xf32, #tpu.memory_space<hbm>>
      %dma_start3A_39 = tpu.memref_squeeze %dma_start3A_38 : memref<1x200x128xf32, #tpu.memory_space<hbm>> -> memref<200x128xf32, #tpu.memory_space<hbm>>
      %dma_start3A_40 = arith.constant 0 : i32
      %dma_start3A_41 = tpu.memref_slice %arg7[%arg0, %multiple_of3A_28, %dma_start3A_40] : memref<2x10240x128xf32, #tpu.memory_space<hbm>> -> memref<1x200x128xf32, #tpu.memory_space<hbm>>
      %dma_start3A_42 = tpu.memref_squeeze %dma_start3A_41 : memref<1x200x128xf32, #tpu.memory_space<hbm>> -> memref<200x128xf32, #tpu.memory_space<hbm>>
      %dma_start3A_43 = arith.constant 0 : i32
      %dma_start3A_44 = arith.constant 0 : i32
      %dma_start3A_45 = tpu.memref_slice %arg10[%dma_start3A_43, %dma_start3A_44] : memref<200x128xf32, #tpu.memory_space<vmem>> -> memref<200x128xf32, #tpu.memory_space<vmem>>
      tpu.enqueue_dma source(%dma_start3A_45 : memref<200x128xf32, #tpu.memory_space<vmem>>) target(%dma_start3A_42 : memref<200x128xf32, #tpu.memory_space<hbm>>) target_semaphore(%run_scoped3A : memref<!tpu.dma_semaphore, #tpu.memory_space<semaphore_mem>>)
      %dma_wait3A = arith.constant 0 : i32
      %dma_wait3A_46 = arith.constant 0 : i32
      %dma_wait3A_47 = tpu.memref_slice %arg10[%dma_wait3A, %dma_wait3A_46] : memref<200x128xf32, #tpu.memory_space<vmem>> -> memref<200x128xf32, #tpu.memory_space<vmem>>
      %dma_wait3A_48 = arith.constant 0 : i32
      %dma_wait3A_49 = tpu.memref_slice %arg7[%arg0, %multiple_of3A_28, %dma_wait3A_48] : memref<2x10240x128xf32, #tpu.memory_space<hbm>> -> memref<1x200x128xf32, #tpu.memory_space<hbm>>
      %dma_wait3A_50 = tpu.memref_squeeze %dma_wait3A_49 : memref<1x200x128xf32, #tpu.memory_space<hbm>> -> memref<200x128xf32, #tpu.memory_space<hbm>>
      %dma_wait3A_51 = arith.constant 0 : i32
      %dma_wait3A_52 = tpu.memref_slice %arg7[%arg0, %multiple_of3A_28, %dma_wait3A_51] : memref<2x10240x128xf32, #tpu.memory_space<hbm>> -> memref<1x200x128xf32, #tpu.memory_space<hbm>>
      %dma_wait3A_53 = tpu.memref_squeeze %dma_wait3A_52 : memref<1x200x128xf32, #tpu.memory_space<hbm>> -> memref<200x128xf32, #tpu.memory_space<hbm>>
      %dma_wait3A_54 = arith.constant 0 : i32
      %dma_wait3A_55 = arith.constant 0 : i32
      %dma_wait3A_56 = tpu.memref_slice %arg10[%dma_wait3A_54, %dma_wait3A_55] : memref<200x128xf32, #tpu.memory_space<vmem>> -> memref<200x128xf32, #tpu.memory_space<vmem>>
      tpu.wait_dma2 semaphore(%run_scoped3A : memref<!tpu.dma_semaphore, #tpu.memory_space<semaphore_mem>>) src(%dma_wait3A_56 : memref<200x128xf32, #tpu.memory_space<vmem>>) dst(%dma_wait3A_53 : memref<200x128xf32, #tpu.memory_space<hbm>>)
      tpu.yield
    }) : () -> ()
    %add3A_29 = arith.constant 400 : i32
    %add3A_30 = arith.addi %multiple_of3A, %add3A_29 : i32
    %multiple_of3A_31 = tpu.assume_multiple %add3A_30, 8 : i32
    "tpu.region"() ({
      %run_scoped3A = tpu.sem_alloc : memref<!tpu.dma_semaphore, #tpu.memory_space<semaphore_mem>>
      %dma_start3A = arith.constant 0 : i32
      %dma_start3A_35 = arith.constant 0 : i32
      %dma_start3A_36 = tpu.memref_slice %arg10[%dma_start3A, %dma_start3A_35] : memref<200x128xf32, #tpu.memory_space<vmem>> -> memref<200x128xf32, #tpu.memory_space<vmem>>
      %dma_start3A_37 = arith.constant 0 : i32
      %dma_start3A_38 = tpu.memref_slice %arg13[%multiple_of3A_31, %dma_start3A_37] : memref<10240x128xf32, #tpu.memory_space<vmem_shared>> -> memref<200x128xf32, #tpu.memory_space<vmem_shared>>
      %dma_start3A_39 = arith.constant 0 : i32
      %dma_start3A_40 = arith.constant 0 : i32
      %dma_start3A_41 = tpu.memref_slice %arg10[%dma_start3A_39, %dma_start3A_40] : memref<200x128xf32, #tpu.memory_space<vmem>> -> memref<200x128xf32, #tpu.memory_space<vmem>>
      %dma_start3A_42 = arith.constant 0 : i32
      %dma_start3A_43 = tpu.memref_slice %arg13[%multiple_of3A_31, %dma_start3A_42] : memref<10240x128xf32, #tpu.memory_space<vmem_shared>> -> memref<200x128xf32, #tpu.memory_space<vmem_shared>>
      tpu.enqueue_dma source(%dma_start3A_43 : memref<200x128xf32, #tpu.memory_space<vmem_shared>>) target(%dma_start3A_41 : memref<200x128xf32, #tpu.memory_space<vmem>>) target_semaphore(%run_scoped3A : memref<!tpu.dma_semaphore, #tpu.memory_space<semaphore_mem>>)
      %dma_wait3A = arith.constant 0 : i32
      %dma_wait3A_44 = arith.constant 0 : i32
      %dma_wait3A_45 = tpu.memref_slice %arg10[%dma_wait3A, %dma_wait3A_44] : memref<200x128xf32, #tpu.memory_space<vmem>> -> memref<200x128xf32, #tpu.memory_space<vmem>>
      %dma_wait3A_46 = arith.constant 0 : i32
      %dma_wait3A_47 = tpu.memref_slice %arg13[%multiple_of3A_31, %dma_wait3A_46] : memref<10240x128xf32, #tpu.memory_space<vmem_shared>> -> memref<200x128xf32, #tpu.memory_space<vmem_shared>>
      %dma_wait3A_48 = arith.constant 0 : i32
      %dma_wait3A_49 = arith.constant 0 : i32
      %dma_wait3A_50 = tpu.memref_slice %arg10[%dma_wait3A_48, %dma_wait3A_49] : memref<200x128xf32, #tpu.memory_space<vmem>> -> memref<200x128xf32, #tpu.memory_space<vmem>>
      %dma_wait3A_51 = arith.constant 0 : i32
      %dma_wait3A_52 = tpu.memref_slice %arg13[%multiple_of3A_31, %dma_wait3A_51] : memref<10240x128xf32, #tpu.memory_space<vmem_shared>> -> memref<200x128xf32, #tpu.memory_space<vmem_shared>>
      tpu.wait_dma2 semaphore(%run_scoped3A : memref<!tpu.dma_semaphore, #tpu.memory_space<semaphore_mem>>) src(%dma_wait3A_52 : memref<200x128xf32, #tpu.memory_space<vmem_shared>>) dst(%dma_wait3A_50 : memref<200x128xf32, #tpu.memory_space<vmem>>)
      tpu.yield
    }) : () -> ()
    "tpu.region"() ({
      %run_scoped3A = tpu.sem_alloc : memref<!tpu.dma_semaphore, #tpu.memory_space<semaphore_mem>>
      %dma_start3A = arith.constant 0 : i32
      %dma_start3A_35 = arith.constant 0 : i32
      %dma_start3A_36 = tpu.memref_slice %arg10[%dma_start3A, %dma_start3A_35] : memref<200x128xf32, #tpu.memory_space<vmem>> -> memref<200x128xf32, #tpu.memory_space<vmem>>
      %dma_start3A_37 = arith.constant 0 : i32
      %dma_start3A_38 = tpu.memref_slice %arg7[%arg0, %multiple_of3A_31, %dma_start3A_37] : memref<2x10240x128xf32, #tpu.memory_space<hbm>> -> memref<1x200x128xf32, #tpu.memory_space<hbm>>
      %dma_start3A_39 = tpu.memref_squeeze %dma_start3A_38 : memref<1x200x128xf32, #tpu.memory_space<hbm>> -> memref<200x128xf32, #tpu.memory_space<hbm>>
      %dma_start3A_40 = arith.constant 0 : i32
      %dma_start3A_41 = tpu.memref_slice %arg7[%arg0, %multiple_of3A_31, %dma_start3A_40] : memref<2x10240x128xf32, #tpu.memory_space<hbm>> -> memref<1x200x128xf32, #tpu.memory_space<hbm>>
      %dma_start3A_42 = tpu.memref_squeeze %dma_start3A_41 : memref<1x200x128xf32, #tpu.memory_space<hbm>> -> memref<200x128xf32, #tpu.memory_space<hbm>>
      %dma_start3A_43 = arith.constant 0 : i32
      %dma_start3A_44 = arith.constant 0 : i32
      %dma_start3A_45 = tpu.memref_slice %arg10[%dma_start3A_43, %dma_start3A_44] : memref<200x128xf32, #tpu.memory_space<vmem>> -> memref<200x128xf32, #tpu.memory_space<vmem>>
      tpu.enqueue_dma source(%dma_start3A_45 : memref<200x128xf32, #tpu.memory_space<vmem>>) target(%dma_start3A_42 : memref<200x128xf32, #tpu.memory_space<hbm>>) target_semaphore(%run_scoped3A : memref<!tpu.dma_semaphore, #tpu.memory_space<semaphore_mem>>)
      %dma_wait3A = arith.constant 0 : i32
      %dma_wait3A_46 = arith.constant 0 : i32
      %dma_wait3A_47 = tpu.memref_slice %arg10[%dma_wait3A, %dma_wait3A_46] : memref<200x128xf32, #tpu.memory_space<vmem>> -> memref<200x128xf32, #tpu.memory_space<vmem>>
      %dma_wait3A_48 = arith.constant 0 : i32
      %dma_wait3A_49 = tpu.memref_slice %arg7[%arg0, %multiple_of3A_31, %dma_wait3A_48] : memref<2x10240x128xf32, #tpu.memory_space<hbm>> -> memref<1x200x128xf32, #tpu.memory_space<hbm>>
      %dma_wait3A_50 = tpu.memref_squeeze %dma_wait3A_49 : memref<1x200x128xf32, #tpu.memory_space<hbm>> -> memref<200x128xf32, #tpu.memory_space<hbm>>
      %dma_wait3A_51 = arith.constant 0 : i32
      %dma_wait3A_52 = tpu.memref_slice %arg7[%arg0, %multiple_of3A_31, %dma_wait3A_51] : memref<2x10240x128xf32, #tpu.memory_space<hbm>> -> memref<1x200x128xf32, #tpu.memory_space<hbm>>
      %dma_wait3A_53 = tpu.memref_squeeze %dma_wait3A_52 : memref<1x200x128xf32, #tpu.memory_space<hbm>> -> memref<200x128xf32, #tpu.memory_space<hbm>>
      %dma_wait3A_54 = arith.constant 0 : i32
      %dma_wait3A_55 = arith.constant 0 : i32
      %dma_wait3A_56 = tpu.memref_slice %arg10[%dma_wait3A_54, %dma_wait3A_55] : memref<200x128xf32, #tpu.memory_space<vmem>> -> memref<200x128xf32, #tpu.memory_space<vmem>>
      tpu.wait_dma2 semaphore(%run_scoped3A : memref<!tpu.dma_semaphore, #tpu.memory_space<semaphore_mem>>) src(%dma_wait3A_56 : memref<200x128xf32, #tpu.memory_space<vmem>>) dst(%dma_wait3A_53 : memref<200x128xf32, #tpu.memory_space<hbm>>)
      tpu.yield
    }) : () -> ()
    %add3A_32 = arith.constant 600 : i32
    %add3A_33 = arith.addi %multiple_of3A, %add3A_32 : i32
    %multiple_of3A_34 = tpu.assume_multiple %add3A_33, 8 : i32
    "tpu.region"() ({
      %run_scoped3A = tpu.sem_alloc : memref<!tpu.dma_semaphore, #tpu.memory_space<semaphore_mem>>
      %dma_start3A = arith.constant 0 : i32
      %dma_start3A_35 = arith.constant 0 : i32
      %dma_start3A_36 = tpu.memref_slice %arg10[%dma_start3A, %dma_start3A_35] : memref<200x128xf32, #tpu.memory_space<vmem>> -> memref<40x128xf32, #tpu.memory_space<vmem>>
      %dma_start3A_37 = arith.constant 0 : i32
      %dma_start3A_38 = tpu.memref_slice %arg13[%multiple_of3A_34, %dma_start3A_37] : memref<10240x128xf32, #tpu.memory_space<vmem_shared>> -> memref<40x128xf32, #tpu.memory_space<vmem_shared>>
      %dma_start3A_39 = arith.constant 0 : i32
      %dma_start3A_40 = arith.constant 0 : i32
      %dma_start3A_41 = tpu.memref_slice %arg10[%dma_start3A_39, %dma_start3A_40] : memref<200x128xf32, #tpu.memory_space<vmem>> -> memref<40x128xf32, #tpu.memory_space<vmem>>
      %dma_start3A_42 = arith.constant 0 : i32
      %dma_start3A_43 = tpu.memref_slice %arg13[%multiple_of3A_34, %dma_start3A_42] : memref<10240x128xf32, #tpu.memory_space<vmem_shared>> -> memref<40x128xf32, #tpu.memory_space<vmem_shared>>
      tpu.enqueue_dma source(%dma_start3A_43 : memref<40x128xf32, #tpu.memory_space<vmem_shared>>) target(%dma_start3A_41 : memref<40x128xf32, #tpu.memory_space<vmem>>) target_semaphore(%run_scoped3A : memref<!tpu.dma_semaphore, #tpu.memory_space<semaphore_mem>>)
      %dma_wait3A = arith.constant 0 : i32
      %dma_wait3A_44 = arith.constant 0 : i32
      %dma_wait3A_45 = tpu.memref_slice %arg10[%dma_wait3A, %dma_wait3A_44] : memref<200x128xf32, #tpu.memory_space<vmem>> -> memref<40x128xf32, #tpu.memory_space<vmem>>
      %dma_wait3A_46 = arith.constant 0 : i32
      %dma_wait3A_47 = tpu.memref_slice %arg13[%multiple_of3A_34, %dma_wait3A_46] : memref<10240x128xf32, #tpu.memory_space<vmem_shared>> -> memref<40x128xf32, #tpu.memory_space<vmem_shared>>
      %dma_wait3A_48 = arith.constant 0 : i32
      %dma_wait3A_49 = arith.constant 0 : i32
      %dma_wait3A_50 = tpu.memref_slice %arg10[%dma_wait3A_48, %dma_wait3A_49] : memref<200x128xf32, #tpu.memory_space<vmem>> -> memref<40x128xf32, #tpu.memory_space<vmem>>
      %dma_wait3A_51 = arith.constant 0 : i32
      %dma_wait3A_52 = tpu.memref_slice %arg13[%multiple_of3A_34, %dma_wait3A_51] : memref<10240x128xf32, #tpu.memory_space<vmem_shared>> -> memref<40x128xf32, #tpu.memory_space<vmem_shared>>
      tpu.wait_dma2 semaphore(%run_scoped3A : memref<!tpu.dma_semaphore, #tpu.memory_space<semaphore_mem>>) src(%dma_wait3A_52 : memref<40x128xf32, #tpu.memory_space<vmem_shared>>) dst(%dma_wait3A_50 : memref<40x128xf32, #tpu.memory_space<vmem>>)
      tpu.yield
    }) : () -> ()
    "tpu.region"() ({
      %run_scoped3A = tpu.sem_alloc : memref<!tpu.dma_semaphore, #tpu.memory_space<semaphore_mem>>
      %dma_start3A = arith.constant 0 : i32
      %dma_start3A_35 = arith.constant 0 : i32
      %dma_start3A_36 = tpu.memref_slice %arg10[%dma_start3A, %dma_start3A_35] : memref<200x128xf32, #tpu.memory_space<vmem>> -> memref<40x128xf32, #tpu.memory_space<vmem>>
      %dma_start3A_37 = arith.constant 0 : i32
      %dma_start3A_38 = tpu.memref_slice %arg7[%arg0, %multiple_of3A_34, %dma_start3A_37] : memref<2x10240x128xf32, #tpu.memory_space<hbm>> -> memref<1x40x128xf32, #tpu.memory_space<hbm>>
      %dma_start3A_39 = tpu.memref_squeeze %dma_start3A_38 : memref<1x40x128xf32, #tpu.memory_space<hbm>> -> memref<40x128xf32, #tpu.memory_space<hbm>>
      %dma_start3A_40 = arith.constant 0 : i32
      %dma_start3A_41 = tpu.memref_slice %arg7[%arg0, %multiple_of3A_34, %dma_start3A_40] : memref<2x10240x128xf32, #tpu.memory_space<hbm>> -> memref<1x40x128xf32, #tpu.memory_space<hbm>>
      %dma_start3A_42 = tpu.memref_squeeze %dma_start3A_41 : memref<1x40x128xf32, #tpu.memory_space<hbm>> -> memref<40x128xf32, #tpu.memory_space<hbm>>
      %dma_start3A_43 = arith.constant 0 : i32
      %dma_start3A_44 = arith.constant 0 : i32
      %dma_start3A_45 = tpu.memref_slice %arg10[%dma_start3A_43, %dma_start3A_44] : memref<200x128xf32, #tpu.memory_space<vmem>> -> memref<40x128xf32, #tpu.memory_space<vmem>>
      tpu.enqueue_dma source(%dma_start3A_45 : memref<40x128xf32, #tpu.memory_space<vmem>>) target(%dma_start3A_42 : memref<40x128xf32, #tpu.memory_space<hbm>>) target_semaphore(%run_scoped3A : memref<!tpu.dma_semaphore, #tpu.memory_space<semaphore_mem>>)
      %dma_wait3A = arith.constant 0 : i32
      %dma_wait3A_46 = arith.constant 0 : i32
      %dma_wait3A_47 = tpu.memref_slice %arg10[%dma_wait3A, %dma_wait3A_46] : memref<200x128xf32, #tpu.memory_space<vmem>> -> memref<40x128xf32, #tpu.memory_space<vmem>>
      %dma_wait3A_48 = arith.constant 0 : i32
      %dma_wait3A_49 = tpu.memref_slice %arg7[%arg0, %multiple_of3A_34, %dma_wait3A_48] : memref<2x10240x128xf32, #tpu.memory_space<hbm>> -> memref<1x40x128xf32, #tpu.memory_space<hbm>>
      %dma_wait3A_50 = tpu.memref_squeeze %dma_wait3A_49 : memref<1x40x128xf32, #tpu.memory_space<hbm>> -> memref<40x128xf32, #tpu.memory_space<hbm>>
      %dma_wait3A_51 = arith.constant 0 : i32
      %dma_wait3A_52 = tpu.memref_slice %arg7[%arg0, %multiple_of3A_34, %dma_wait3A_51] : memref<2x10240x128xf32, #tpu.memory_space<hbm>> -> memref<1x40x128xf32, #tpu.memory_space<hbm>>
      %dma_wait3A_53 = tpu.memref_squeeze %dma_wait3A_52 : memref<1x40x128xf32, #tpu.memory_space<hbm>> -> memref<40x128xf32, #tpu.memory_space<hbm>>
      %dma_wait3A_54 = arith.constant 0 : i32
      %dma_wait3A_55 = arith.constant 0 : i32
      %dma_wait3A_56 = tpu.memref_slice %arg10[%dma_wait3A_54, %dma_wait3A_55] : memref<200x128xf32, #tpu.memory_space<vmem>> -> memref<40x128xf32, #tpu.memory_space<vmem>>
      tpu.wait_dma2 semaphore(%run_scoped3A : memref<!tpu.dma_semaphore, #tpu.memory_space<semaphore_mem>>) src(%dma_wait3A_56 : memref<40x128xf32, #tpu.memory_space<vmem>>) dst(%dma_wait3A_53 : memref<40x128xf32, #tpu.memory_space<hbm>>)
      tpu.yield
    }) : () -> ()
    "tpu.region"() ({
      %run_scoped3A = tpu.sem_alloc : memref<!tpu.dma_semaphore, #tpu.memory_space<semaphore_mem>>
      %dma_start3A = tpu.memref_slice %arg14[%multiple_of3A] : memref<10240xf32, #tpu.memory_space<vmem_shared>> -> memref<640xf32, #tpu.memory_space<vmem_shared>>
      %dma_start3A_35 = tpu.memref_slice %arg14[%multiple_of3A] : memref<10240xf32, #tpu.memory_space<vmem_shared>> -> memref<640xf32, #tpu.memory_space<vmem_shared>>
      tpu.enqueue_dma source(%dma_start3A_35 : memref<640xf32, #tpu.memory_space<vmem_shared>>) target(%arg12 : memref<640xf32, #tpu.memory_space<vmem>>) target_semaphore(%run_scoped3A : memref<!tpu.dma_semaphore, #tpu.memory_space<semaphore_mem>>)
      %dma_wait3A = tpu.memref_slice %arg14[%multiple_of3A] : memref<10240xf32, #tpu.memory_space<vmem_shared>> -> memref<640xf32, #tpu.memory_space<vmem_shared>>
      %dma_wait3A_36 = tpu.memref_slice %arg14[%multiple_of3A] : memref<10240xf32, #tpu.memory_space<vmem_shared>> -> memref<640xf32, #tpu.memory_space<vmem_shared>>
      tpu.wait_dma2 semaphore(%run_scoped3A : memref<!tpu.dma_semaphore, #tpu.memory_space<semaphore_mem>>) src(%dma_wait3A_36 : memref<640xf32, #tpu.memory_space<vmem_shared>>) dst(%arg12 : memref<640xf32, #tpu.memory_space<vmem>>)
      tpu.yield
    }) : () -> ()
    "tpu.region"() ({
      %run_scoped3A = tpu.sem_alloc : memref<!tpu.dma_semaphore, #tpu.memory_space<semaphore_mem>>
      %dma_start3A = tpu.memref_slice %arg8[%arg0, %multiple_of3A] : memref<2x10240xf32, #tpu.memory_space<hbm>> -> memref<1x640xf32, #tpu.memory_space<hbm>>
      %dma_start3A_35 = tpu.memref_squeeze %dma_start3A : memref<1x640xf32, #tpu.memory_space<hbm>> -> memref<640xf32, #tpu.memory_space<hbm>>
      %dma_start3A_36 = tpu.memref_slice %arg8[%arg0, %multiple_of3A] : memref<2x10240xf32, #tpu.memory_space<hbm>> -> memref<1x640xf32, #tpu.memory_space<hbm>>
      %dma_start3A_37 = tpu.memref_squeeze %dma_start3A_36 : memref<1x640xf32, #tpu.memory_space<hbm>> -> memref<640xf32, #tpu.memory_space<hbm>>
      tpu.enqueue_dma source(%arg12 : memref<640xf32, #tpu.memory_space<vmem>>) target(%dma_start3A_37 : memref<640xf32, #tpu.memory_space<hbm>>) target_semaphore(%run_scoped3A : memref<!tpu.dma_semaphore, #tpu.memory_space<semaphore_mem>>)
      %dma_wait3A = tpu.memref_slice %arg8[%arg0, %multiple_of3A] : memref<2x10240xf32, #tpu.memory_space<hbm>> -> memref<1x640xf32, #tpu.memory_space<hbm>>
      %dma_wait3A_38 = tpu.memref_squeeze %dma_wait3A : memref<1x640xf32, #tpu.memory_space<hbm>> -> memref<640xf32, #tpu.memory_space<hbm>>
      %dma_wait3A_39 = tpu.memref_slice %arg8[%arg0, %multiple_of3A] : memref<2x10240xf32, #tpu.memory_space<hbm>> -> memref<1x640xf32, #tpu.memory_space<hbm>>
      %dma_wait3A_40 = tpu.memref_squeeze %dma_wait3A_39 : memref<1x640xf32, #tpu.memory_space<hbm>> -> memref<640xf32, #tpu.memory_space<hbm>>
      tpu.wait_dma2 semaphore(%run_scoped3A : memref<!tpu.dma_semaphore, #tpu.memory_space<semaphore_mem>>) src(%arg12 : memref<640xf32, #tpu.memory_space<vmem>>) dst(%dma_wait3A_40 : memref<640xf32, #tpu.memory_space<hbm>>)
      tpu.yield
    }) : () -> ()
    return
  }
}

module attributes {stable_mosaic.version = 14 : i64} {
  func.func @_tc_combine_body(%arg0: i32, %arg1: memref<2000x128xf32, #tpu.memory_space<vmem>>, %arg2: memref<2x2000x128xf32, #tpu.memory_space<vmem>>, %arg3: memref<2x2000x1xf32, #tpu.memory_space<vmem>>, %arg4: memref<128x128xf32, #tpu.memory_space<vmem>>, %arg5: memref<128x128xf32, #tpu.memory_space<vmem>>, %arg6: memref<128xf32, #tpu.memory_space<vmem>>, %arg7: memref<2000x128xf32, #tpu.memory_space<vmem>>) attributes {dimension_semantics = [#tpu.dimension_semantics<arbitrary>], iteration_bounds = array<i64: 5>, scalar_prefetch = 0 : i64, scratch_operands = 0 : i64, tpu.core_type = #tpu.core_type<tc>, window_params = [{transform_indices = @transform_0, window_bounds = array<i64: 2000, 128>}, {transform_indices = @transform_1, window_bounds = array<i64: 2, 2000, 128>}, {transform_indices = @transform_2, window_bounds = array<i64: 2, 2000, 1>}, {pipeline_mode = #tpu.pipeline_mode<synchronous>, transform_indices = @transform_3, window_bounds = array<i64: 128, 128>}, {pipeline_mode = #tpu.pipeline_mode<synchronous>, transform_indices = @transform_4, window_bounds = array<i64: 128, 128>}, {pipeline_mode = #tpu.pipeline_mode<synchronous>, transform_indices = @transform_5, window_bounds = array<i64: 128>}, {transform_indices = @transform_6, window_bounds = array<i64: 2000, 128>}]} {
    %get3A = arith.constant 0 : index
    %get3A_0 = arith.constant 0 : index
    %get3A_1 = vector.load %arg1[%get3A, %get3A_0] : memref<2000x128xf32, #tpu.memory_space<vmem>>, vector<2000x128xf32>
    %get3A_2 = arith.constant 0 : index
    %get3A_3 = arith.constant 0 : index
    %get3A_4 = arith.constant 0 : index
    %get3A_5 = vector.load %arg2[%get3A_2, %get3A_3, %get3A_4] : memref<2x2000x128xf32, #tpu.memory_space<vmem>>, vector<1x2000x128xf32>
    %get3A_6 = vector.shape_cast %get3A_5 : vector<1x2000x128xf32> to vector<2000x128xf32>
    %get3A_7 = arith.constant 1 : index
    %get3A_8 = arith.constant 0 : index
    %get3A_9 = arith.constant 0 : index
    %get3A_10 = vector.load %arg2[%get3A_7, %get3A_8, %get3A_9] : memref<2x2000x128xf32, #tpu.memory_space<vmem>>, vector<1x2000x128xf32>
    %get3A_11 = vector.shape_cast %get3A_10 : vector<1x2000x128xf32> to vector<2000x128xf32>
    %add3A = arith.addf %get3A_6, %get3A_11 : vector<2000x128xf32>
    %get3A_12 = arith.constant 0 : index
    %get3A_13 = arith.constant 0 : index
    %get3A_14 = arith.constant 0 : index
    %get3A_15 = vector.load %arg3[%get3A_12, %get3A_13, %get3A_14] : memref<2x2000x1xf32, #tpu.memory_space<vmem>>, vector<1x2000x1xf32>
    %get3A_16 = vector.shape_cast %get3A_15 : vector<1x2000x1xf32> to vector<2000x1xf32>
    %get3A_17 = arith.constant 1 : index
    %get3A_18 = arith.constant 0 : index
    %get3A_19 = arith.constant 0 : index
    %get3A_20 = vector.load %arg3[%get3A_17, %get3A_18, %get3A_19] : memref<2x2000x1xf32, #tpu.memory_space<vmem>>, vector<1x2000x1xf32>
    %get3A_21 = vector.shape_cast %get3A_20 : vector<1x2000x1xf32> to vector<2000x1xf32>
    %add3A_22 = arith.addf %get3A_16, %get3A_21 : vector<2000x1xf32>
    %max3A = arith.constant 1.000000e+00 : f32
    %max3A_23 = vector.broadcast %max3A : f32 to vector<2000x1xf32>
    %max3A_24 = arith.maximumf %add3A_22, %max3A_23 : vector<2000x1xf32>
    %div3A = vector.broadcast %max3A_24 : vector<2000x1xf32> to vector<2000x128xf32>
    %div3A_25 = arith.divf %add3A, %div3A : vector<2000x128xf32>
    %get3A_26 = arith.constant 0 : index
    %get3A_27 = arith.constant 0 : index
    %get3A_28 = vector.load %arg4[%get3A_26, %get3A_27] : memref<128x128xf32, #tpu.memory_space<vmem>>, vector<128x128xf32>
    %dot_general3A = arith.constant dense<0.000000e+00> : vector<2000x128xf32>
    %dot_general3A_29 = tpu.matmul %get3A_1, %get3A_28, %dot_general3A {dimension_numbers = #tpu.dot_dimension_numbers<[1], [1], [0], [0], [0, 0, 1, 0], [], []>, transpose_lhs_hint = false} : vector<2000x128xf32>, vector<128x128xf32>, vector<2000x128xf32> -> vector<2000x128xf32>
    %get3A_30 = arith.constant 0 : index
    %get3A_31 = arith.constant 0 : index
    %get3A_32 = vector.load %arg5[%get3A_30, %get3A_31] : memref<128x128xf32, #tpu.memory_space<vmem>>, vector<128x128xf32>
    %dot_general3A_33 = arith.constant dense<0.000000e+00> : vector<2000x128xf32>
    %dot_general3A_34 = tpu.matmul %div3A_25, %get3A_32, %dot_general3A_33 {dimension_numbers = #tpu.dot_dimension_numbers<[1], [1], [0], [0], [0, 0, 1, 0], [], []>, transpose_lhs_hint = false} : vector<2000x128xf32>, vector<128x128xf32>, vector<2000x128xf32> -> vector<2000x128xf32>
    %add3A_35 = arith.addf %dot_general3A_29, %dot_general3A_34 : vector<2000x128xf32>
    %get3A_36 = arith.constant 0 : index
    %get3A_37 = vector.load %arg6[%get3A_36] : memref<128xf32, #tpu.memory_space<vmem>>, vector<128xf32>
    %broadcast_in_dim3A = vector.shape_cast %get3A_37 : vector<128xf32> to vector<1x128xf32>
    %add3A_38 = vector.broadcast %broadcast_in_dim3A : vector<1x128xf32> to vector<2000x128xf32>
    %add3A_39 = arith.addf %add3A_35, %add3A_38 : vector<2000x128xf32>
    %swap3A = arith.constant 0 : index
    %swap3A_40 = arith.constant 0 : index
    %swap3A_41 = vector.load %arg7[%swap3A, %swap3A_40] : memref<2000x128xf32, #tpu.memory_space<vmem>>, vector<2000x128xf32>
    tpu.vector_store %arg7[%swap3A, %swap3A_40], %add3A_39 {strides = array<i32>} : memref<2000x128xf32, #tpu.memory_space<vmem>>, vector<2000x128xf32>,
    return
  }
  func.func @transform_0(%arg0: i32) -> (i32, i32) {
    %c0_i32 = arith.constant 0 : i32
    %c0_i32_0 = arith.constant 0 : i32
    return %arg0, %c0_i32 : i32, i32
  }
  func.func @transform_1(%arg0: i32) -> (i32, i32, i32) {
    %c0_i32 = arith.constant 0 : i32
    %c0_i32_0 = arith.constant 0 : i32
    %c0_i32_1 = arith.constant 0 : i32
    return %c0_i32, %arg0, %c0_i32_0 : i32, i32, i32
  }
  func.func @transform_2(%arg0: i32) -> (i32, i32, i32) {
    %c0_i32 = arith.constant 0 : i32
    %c0_i32_0 = arith.constant 0 : i32
    %c0_i32_1 = arith.constant 0 : i32
    return %c0_i32, %arg0, %c0_i32_0 : i32, i32, i32
  }
  func.func @transform_3(%arg0: i32) -> (i32, i32) {
    %c0_i32 = arith.constant 0 : i32
    %c0_i32_0 = arith.constant 0 : i32
    %c0_i32_1 = arith.constant 0 : i32
    return %c0_i32, %c0_i32_0 : i32, i32
  }
  func.func @transform_4(%arg0: i32) -> (i32, i32) {
    %c0_i32 = arith.constant 0 : i32
    %c0_i32_0 = arith.constant 0 : i32
    %c0_i32_1 = arith.constant 0 : i32
    return %c0_i32, %c0_i32_0 : i32, i32
  }
  func.func @transform_5(%arg0: i32) -> i32 {
    %c0_i32 = arith.constant 0 : i32
    %c0_i32_0 = arith.constant 0 : i32
    return %c0_i32 : i32
  }
  func.func @transform_6(%arg0: i32) -> (i32, i32) {
    %c0_i32 = arith.constant 0 : i32
    %c0_i32_0 = arith.constant 0 : i32
    return %arg0, %c0_i32 : i32, i32
  }
}

</mosaic_0001>

<sc_bundles>
// kernel: kernel.4.cloned.1.call-start
scs
__scs_entry_jumppad:
0x0: {  	(pc) =	sbr.rel $0x88, $3  }
0x1: {  	(tag) =	ssettag $0x0;
	lr =	simm.s32 $0x1  }
0x2: {  	[smem:$0x3F9B] =	sst lr;
	_ =	strace $0xD0000000  }
0x3: {  	_ = 	snop  }
0x4: {  	_ = 	snop  }
0x5: {  	_ = 	snop  }
0x6: {  	_ = 	snop  }
0x7: {  	_ = 	snop  }
__scs_overlays_trampoline_lowered:
0x8: {  	[smem:$0x3FAA] =	sst s0  }
0x9: {  	[smem:$0x3FAB] =	sst s1  }
0xa: {  	[smem:$0x3FAC] =	sst s2  }
0xb: {  	[smem:$0x3FAD] =	sst s3  }
0xc: {  	[smem:$0x3FAE] =	sst s4  }
0xd: {  	[smem:$0x3FAF] =	sst s5  }
0xe: {  	[smem:$0x3FB0] =	sst s6  }
0xf: {  	[smem:$0x3FB1] =	sst s7  }
0x10: {  	[smem:$0x3FB2] =	sst s8  }
0x11: {  	[smem:$0x3FB3] =	sst s9;
	s0 =	simm.s32 @!p0 $0x0  }
0x12: {  	s1 =	sld [smem:$0x3F99];
	s0 =	simm.s32 @p0 $0x1  }
0x13: {  	[smem:$0x3FB4] =	sst s0;
	s0 =	simm.s32 @!p1 $0x0  }
0x14: {  	s2 =	sld [smem:$0x3F98];
	s0 =	simm.s32 @p1 $0x1  }
0x15: {  	[smem:$0x3FB5] =	sst s0;
	s0 =	simm.s32 @!p2 $0x0  }
0x16: {  	s3 =	sld [smem:$0x3FDB];
	s0 =	simm.s32 @p2 $0x1  }
0x17: {  	s4 =	simm.s32 $0x1BF5;
	[smem:$0x3FB7] =	sst s0  }
0x18: {  	s0 =	sld [smem:$0x3F9A];
	_ =	swait.ge [sflag:s4], $0x0  }
0x19: {  	s7 =	sld [smem:$0x3F9B]  }
0x1a: {  	s8 =	sadd.s32 $0xFFFFE003, lr  }
0x1b: {  	s9 =	sadd.s32 $0xFFFFFEF7, lr;
	s5 =	simm.s32 $0xFFFFFFFF;
	p2 =	slt.u32 s8, $0xFFFFF086  }
0x1c: {  	p1 =	slt.u32 s9, $0xF7A;
	s5 =	simm.s32 @!p2 $0x0  }
0x1d: {  	s5 =	simm.s32 @p1 $0x1;
	p0 =	seq.s32 s7, s2  }
0x1e: {  	s7 =	smul.u32 @!p0 $0xF7A, s2;
	p2 =	seq.s32 @!p0 s5, $0x0  }
0x1f: {  	s9 =	smul.u32 $0xF7A, s1;
	s8 =	simm.s32 @!p0 $0x1BF5;
	p2 =	por !p2, p0  }
0x20: {  	[sflag:s8] =	ssyncset.s32 @!p0 $0xFFFFF086;
	s6 =	sadd.s32 @!p0 s3, s7;
	s7 =	simm.s32 @!p0 $0x108  }
0x21: {  	s3 =	sadd.s32 s3, s9;
	s6 =	sadd.s32 @!p0 $0x88, s6;
	s7 =	simm.s32 @p2 $0x1082  }
0x22: {  	[simem:s7], [sflag:s8] =	dma.local @!p0 [hbm:s6], $0xF7A  }
0x23: {  	s9 =	sor.u32 $0xD0000000, s2;
	s6 =	simm.s32 $0x108;
	_ =	swait.ge @!p0 [sflag:s8], $0x0  }
0x24: {  	s3 =	sadd.s32 $0x88, s3;
	s6 =	simm.s32 @!p1 $0x1082;
	[sflag:s4] =	ssyncset.s32 $0xFFFFF086  }
0x25: {  	[simem:s6], [sflag:s4] =	dma.local [hbm:s3], $0xF7A  }
0x26: {  	[smem:$0x3F9B] =	sst s1;
	(tag) =	ssettag s2;
	_ =	strace s9  }
0x27: {  	s1 =	sld [smem:$0x3FAB]  }
0x28: {  	s2 =	sld [smem:$0x3FAC]  }
0x29: {  	s4 =	sld [smem:$0x3FAE]  }
0x2a: {  	p0 =	seq.s32 s5, $0x0;
	s5 =	sld [smem:$0x3FAF]  }
0x2b: {  	s6 =	sld [smem:$0x3FB0]  }
0x2c: {  	s7 =	sld [smem:$0x3FB1]  }
0x2d: {  	s3 =	simm.s32 $0x108;
	s8 =	sld [smem:$0x3FB2]  }
0x2e: {  	s3 =	simm.s32 @!p0 $0x1082;
	s9 =	sld [smem:$0x3FB3]  }
0x2f: {  	lr =	sadd.s32 s0, s3;
	s0 =	sld [smem:$0x3FAA]  }
0x30: {  	s3 =	sld [smem:$0x3FAD]  }
0x31: {  	[smem:$0x3FB6] =	sst s10  }
0x32: {  	s10 =	sld [smem:$0x3FB4];
	_ =	sdelay $0x3  }
0x33: {  	p0 =	seq.s32 s10, $0x1;
	s10 =	sld [smem:$0x3FB6];
	_ =	sdelay $0x3  }
0x34: {  	[smem:$0x3FB6] =	sst s10  }
0x35: {  	s10 =	sld [smem:$0x3FB5];
	_ =	sdelay $0x3  }
0x36: {  	p1 =	seq.s32 s10, $0x1;
	s10 =	sld [smem:$0x3FB6];
	_ =	sdelay $0x3  }
0x37: {  	[smem:$0x3FB6] =	sst s10  }
0x38: {  	s10 =	sld [smem:$0x3FB7]  }
0x39: {  	_ = 	snop;
	(pc) =	sbr.ind lr, $3  }
0x3a: {  	_ = 	snop  }
0x3b: {  	_ = 	snop  }
0x3c: {  	p2 =	seq.s32 s10, $0x1;
	s10 =	sld [smem:$0x3FB6]  }
0x3d: {  	_ =	shalt  }
0x3e: {  	_ =	shalt  }
0x3f: {  	_ =	shalt  }
0x40: {  	_ =	shalt  }
0x41: {  	_ =	shalt  }
0x42: {  	_ =	shalt  }
0x43: {  	_ =	shalt  }
0x44: {  	_ =	shalt  }
0x45: {  	_ =	shalt  }
0x46: {  	_ =	shalt  }
0x47: {  	_ =	shalt  }
0x48: {  	_ =	shalt  }
0x49: {  	_ =	shalt  }
0x4a: {  	_ =	shalt  }
0x4b: {  	_ =	shalt  }
0x4c: {  	_ =	shalt  }
0x4d: {  	_ =	shalt  }
0x4e: {  	_ =	shalt  }
0x4f: {  	_ =	shalt  }
0x50: {  	_ =	shalt  }
0x51: {  	_ =	shalt  }
0x52: {  	_ =	shalt  }
0x53: {  	_ =	shalt  }
0x54: {  	_ =	shalt  }
0x55: {  	_ =	shalt  }
0x56: {  	_ =	shalt  }
0x57: {  	_ =	shalt  }
0x58: {  	_ =	shalt  }
0x59: {  	_ =	shalt  }
0x5a: {  	_ =	shalt  }
0x5b: {  	_ =	shalt  }
0x5c: {  	_ =	shalt  }
0x5d: {  	_ =	shalt  }
0x5e: {  	_ =	shalt  }
0x5f: {  	_ =	shalt  }
0x60: {  	_ =	shalt  }
0x61: {  	_ =	shalt  }
0x62: {  	_ =	shalt  }
0x63: {  	_ =	shalt  }
0x64: {  	_ =	shalt  }
0x65: {  	_ =	shalt  }
0x66: {  	_ =	shalt  }
0x67: {  	_ =	shalt  }
0x68: {  	_ =	shalt  }
0x69: {  	_ =	shalt  }
0x6a: {  	_ =	shalt  }
0x6b: {  	_ =	shalt  }
0x6c: {  	_ =	shalt  }
0x6d: {  	_ =	shalt  }
0x6e: {  	_ =	shalt  }
0x6f: {  	_ =	shalt  }
0x70: {  	_ =	shalt  }
0x71: {  	_ =	shalt  }
0x72: {  	_ =	shalt  }
0x73: {  	_ =	shalt  }
0x74: {  	_ =	shalt  }
0x75: {  	_ =	shalt  }
0x76: {  	_ =	shalt  }
0x77: {  	_ =	shalt  }
0x78: {  	_ =	shalt  }
0x79: {  	_ =	shalt  }
0x7a: {  	_ =	shalt  }
0x7b: {  	_ =	shalt  }
0x7c: {  	_ =	shalt  }
0x7d: {  	_ =	shalt  }
0x7e: {  	_ =	shalt  }
0x7f: {  	_ =	shalt  }
0x80: {  	_ =	shalt  }
0x81: {  	_ =	shalt  }
0x82: {  	_ =	shalt  }
0x83: {  	_ =	shalt  }
0x84: {  	_ =	shalt  }
0x85: {  	_ =	shalt  }
0x86: {  	_ =	shalt  }
0x87: {  	_ =	shalt  }
.Lfunc_end0:
.L_simem_size_0:
called_computation_lowered:
.L_overlay_start_0:
0x88: {  	s2 =	sld [smem:$0x3FD9]  }
0x89: {  	s3 =	sld [smem:$0x3FFE];
	_ =	sdelay $0x1  }
0x8a: {  	s1 =	srdreg.scid  }
0x8b: {  	s0 =	sand.u32 $0x1, s1  }
0x8c: {  	s17 =	sshll.u32 s0, $0xA;
	s2 =	sadd.s32 s3, s2  }
0x8d: {  	s2 =	sadd.s32 s2, s17  }
0x8e: {  	[smem:$0x3FC2] =	sst s2  }
0x8f: {  	_ = 	snop  }
0x90: {  	s2 =	sld [smem:$0x3FC7]  }
0x91: {  	s18 =	sld [smem:$0x3FD0];
	(tm) =	ssettm $0x1  }
0x92: {  	s4 =	sld [smem:$0x3FFB];
	_ =	sdelay $0x3  }
0x93: {  	_ =	strace s4  }
0x94: {  	s4 =	sld [smem:$0x3FFC];
	_ =	sdelay $0x3  }
0x95: {  	_ =	strace s4  }
0x96: {  	s4 =	sld [smem:$0x3FFD];
	_ =	sdelay $0x3  }
0x97: {  	_ =	strace s4  }
0x98: {  	_ =	strace $0x8FFFFFFF  }
0x99: {  	s19 =	sld [smem:$0x3FDB];
	_ =	sdelay $0x1  }
0x9a: {  	s5 =	simm.s32 $_scs_section_size  }
0x9b: {  	s6 =	simm.s32 $_size__tile_overlayer_lowered;
	s7 =	simm.s32 $_tile_overlayer_lowered  }
0x9c: {  	s22 =	simm.s32 $0x1BFF;
	s21 =	sshll.u32 s7, $0x1;
	s4 =	sadd.s32 s5, s19  }
0x9d: {  	s8 =	simm.s32 $0x0;
	s20 =	sshll.u32 s6, $0x1;
	s6 =	sadd.s32 s21, s4  }
0x9e: {  	[timem:s8], [sflag:s22] =	dma.local [hbm:s6], s20  }
0x9f: {  	_ =	swait.ge [sflag:s22], s20  }
0xa0: {  	s5 =	ssub.s32 $0x0, s20;
	[sflag:s22] =	ssyncset.done $0x0  }
0xa1: {  	[sflag:s22] =	ssyncadd.s32 s5;
	_ =	sdelay $0x1  }
0xa2: {  	s23 =	simm.s32 $0x1B8B  }
0xa3: {  	_ =	swait.ge [sflag:s23], $0x1  }
0xa4: {  	[sflag:s23] =	ssyncset.done $0x0  }
0xa5: {  	s25 =	simm.s32 $0x1B8E;
	s24 =	sld [smem:$0x3FFE];
	[sflag:s23] =	ssyncadd.s32 $0xFFFFFFFF  }
0xa6: {  	s26 =	simm.s32 $execute0_lowered;
	[smem:$0x3FD2] =	sst s25  }
0xa7: {  	s6 =	sshll.u32 s26, $0x1;
	_ =	strace $0x80000046;
	[dreg:$0x1] =	wrdreg $0xFFFFFFFF  }
0xa8: {  	s28 =	simm.s32 $_size_execute0_lowered;
	s4 =	sadd.s32 s4, s6;
	[dreg:$0x0] =	wrdreg $0x0  }
0xa9: {  	s6 =	sshll.u32 s28, $0x1;
	[dreg:$0x2] =	wrdreg s4  }
0xaa: {  	[dreg:$0x3] =	wrdreg s6  }
0xab: {  	[dreg:$0x4] =	wrdreg $0xC0  }
0xac: {  	_ =	task [dreg:s8], $0x5FFFF  }
0xad: {  	[dreg:$0x1] =	wrdreg $0xFFFFFFFF  }
0xae: {  	[dreg:$0x0] =	wrdreg $0x60  }
0xaf: {  	[dreg:$0x2] =	wrdreg s18  }
0xb0: {  	[dreg:$0x3] =	wrdreg s2  }
0xb1: {  	[dreg:$0x4] =	wrdreg s24  }
0xb2: {  	[dreg:$0x5] =	wrdreg $0x68800  }
0xb3: {  	[dreg:$0x6] =	wrdreg $0x1A8800  }
0xb4: {  	[dreg:$0x7] =	wrdreg $0x9  }
0xb5: {  	_ =	task.clear_ibuf [dreg:s8], $0x8FFFF;
	_ =	strace $0x90000046  }
0xb6: {  	s29 =	simm.s32 $0x9;
	_ =	strace $0x80000048  }
0xb7: {  	_ =	swait.ge [sflag:s29], $0x1  }
0xb8: {  	[sflag:s29] =	ssyncadd.s32 $0xFFFFFFFF  }
0xb9: {  	_ =	strace $0x90000048  }
0xba: {  	_ =	sfence  }
0xbb: {  	s30 =	sld [smem:$0x0];
	_ =	sdelay $0x2  }
0xbc: {  	s31 =	sshll.u32 s1, $0xD;
	s1 =	sshrl.u32 s1, $0x2  }
0xbd: {  	s3 =	sand.u32 $0x4000, s31;
	s1 =	sadd.s32 s1, s30  }
0xbe: {  	s0 =	sor.u32 s3, s0;
	s1 =	sshll.u32 s1, $0x11  }
0xbf: {  	s0 =	sor.u32 s1, s0  }
0xc0: {  	s0 =	sadd.s32 $0x8F2B, s0  }
0xc1: {  	[sflag:s0] =	ssyncadd.remote.s32 $0x1  }
0xc2: {  	_ =	sfence.sel $0xFFFF  }
0xc3: {  	[dreg:$0x0] =	wrdreg $0xFFFFFFFF;
	(pc) =	sbr.abs _section_cstart, $3  }
0xc4: {  	[dreg:$0x1] =	wrdreg $0xFFFFFFFF  }
0xc5: {  	_ =	task.clear_ibuf [dreg:s8], $0x2FFFF;
	_ =	strace $0x9FFFFFFF  }
0xc6: {  	(tm) =	ssettm $0x7FFFFFFF  }
0xc7: {  	_ =	shalt  }
tec
execute0_lowered:
.L_overlay_start_1:
0x0: {  	(tag) =	ssettag $0x1  }
0x1: {  	s20 =	rddreg [dreg:$0x0]  }
0x2: {  	s19 =	rddreg [dreg:$0x1]  }
0x3: {  	s8 =	rddreg [dreg:$0x2]  }
0x4: {  	s1 =	rddreg [dreg:$0x3];
	s0 =	stileid.u32  }
0x5: {  	s2 =	rddreg [dreg:$0x4];
	s9 =	smul.u32 $0x500, s0  }
0x6: {  	s4 =	simm.s32 $0x0;
	s6 =	srdreg.scid;
	s12 =	smul.u32 $0x280, s0  }
0x7: {  	s28 =	simm.s32 $0x0;
	[smem:$0x7FF] =	sst s4;
	s13 =	smul.u32 $0x50000, s0  }
0x8: {  	s5 =	sadd.s32 $0x1200, s8;
	s17 =	sand.u32 $0x1, s6;
	s14 =	smul.u32 $0x14000, s0  }
0x9: {  	s6 =	sadd.s32 $0x1000, s8;
	s7 =	sadd.s32 $0xE00, s8;
	s25 =	smul.u32 $0x2710, s0  }
0xa: {  	s16 =	sadd.s32 $0x2A00, s8;
	_ =	strace $0x80000047;
	s15 =	smul.u32 $0x140000, s17  }
0xb: {  	s10 =	sshll.u32 s17, $0x7;
	s26 =	ssub.s32 $0x2, s17;
	s3 =	smul.u32 $0x27100, s17  }
0xc: {  	s9 =	sor.u32 s10, s9;
	s11 =	sshrl.u32 s26, $0x1;
	s29 =	sshrl.u32 s13, $0x2  }
0xd: {  	s30 =	sshll.u32 s12, $0x7;
	s12 =	sadd.s32 s12, s2;
	s9 =	sshrl.u32 s9, $0x3  }
0xe: {  	s21 =	ssub.s32 s26, s11;
	s31 =	sadd.s32 $0x6400, s30;
	s22 =	sadd.s32 $0xC800, s30  }
0xf: {  	s23 =	sadd.s32 $0x12C00, s30;
	s14 =	sadd.s32 s14, s15;
	s30 =	smul.u32 $0x27100, s0  }
0x10: {  	s18 =	sadd.s32 s9, s8;
	s8 =	sadd.s32 s29, s1;
	s9 =	sadd.s32 s31, s1  }
0x11: {  	s10 =	sadd.s32 s22, s1;
	s13 =	sadd.s32 s15, s31;
	s11 =	sadd.s32 s23, s1  }
0x12: {  	s14 =	sshrl.u32 s14, $0x3;
	s22 =	sadd.s32 s15, s22;
	s15 =	sadd.s32 s15, s23  }
0x13: {  	s29 =	smul.u32 $0x271000, s17;
	s23 =	sadd.s32 s25, s3;
	s25 =	simm.s32 $0xC8  }
0x14: {  	s24 =	sshrl.u32 s13, $0x3;
	s13 =	sadd.s32 s16, s14;
	s22 =	sshrl.u32 s22, $0x3  }
0x15: {  	s26 =	sshrl.u32 s15, $0x3;
	s17 =	sadd.s32 $0x2000, s18;
	s18 =	smax.u32 s21, $0x1  }
0x16: {  	s31 =	sshrl.u32 s23, $0x3;
	s21 =	simm.s32 $0x100;
	s23 =	simm.s32 $0x6600  }
0x17: {  	s14 =	sadd.s32 s16, s24;
	s15 =	sadd.s32 s16, s22;
	s16 =	sadd.s32 s16, s26  }
0x18: {  	s19 =	sadd.s32 s29, s19;
	s20 =	sadd.s32 s31, s20;
	s22 =	simm.s32 $0x1  }
0x19: {  	s24 =	simm.s32 $0x6500;
	s26 =	simm.s32 $0x80;
	s19 =	sadd.s32 s30, s19  }
.LBB2_1:
0x1a: {  	[tilespmem:s21], [sflag:$0x1] =	stream.linear.gather [hbm4b:s5+s4], $0x6400, $0x38;
	[tilespmem:$0x1AB00] =	vst v63  }
0x1b: {  	_ =	swait.ge [sflag:s22], $0x6400  }
0x1c: {  	[sflag:s22] =	ssyncset.done $0x0  }
0x1d: {  	[sflag:s22] =	ssyncadd.s32 $0xFFFF9C00  }
0x1e: {  	[tilespmem:s23], [sflag:$0x1] =	stream.linear.gather [hbm4b:s6+s4], $0x280, $0x38;
	[tilespmem:$0x1AB00] =	vst v63  }
0x1f: {  	_ =	swait.ge [sflag:s22], $0x280  }
0x20: {  	[sflag:s22] =	ssyncset.done $0x0  }
0x21: {  	[sflag:s22] =	ssyncadd.s32 $0xFFFFFD80  }
0x22: {  	[spmem:s8] =	stream.linear.scatter [tilespmem:s21], [sflag:$0x1], $0x6400, $0x38;
	[tilespmem:$0x1AB00] =	vst v63  }
0x23: {  	_ =	swait.ge [sflag:s22], $0x6400  }
0x24: {  	[sflag:s22] =	ssyncset.done $0x0  }
0x25: {  	[sflag:s22] =	ssyncadd.s32 $0xFFFF9C00  }
0x26: {  	[spmem:s9] =	stream.linear.scatter [tilespmem:s21], [sflag:$0x1], $0x6400, $0x38;
	[tilespmem:$0x1AB00] =	vst v63  }
0x27: {  	_ =	swait.ge [sflag:s22], $0x6400  }
0x28: {  	[sflag:s22] =	ssyncset.done $0x0  }
0x29: {  	[sflag:s22] =	ssyncadd.s32 $0xFFFF9C00  }
0x2a: {  	[spmem:s10] =	stream.linear.scatter [tilespmem:s21], [sflag:$0x1], $0x6400, $0x38;
	[tilespmem:$0x1AB00] =	vst v63  }
0x2b: {  	_ =	swait.ge [sflag:s22], $0x6400  }
0x2c: {  	[sflag:s22] =	ssyncset.done $0x0  }
0x2d: {  	[sflag:s22] =	ssyncadd.s32 $0xFFFF9C00  }
0x2e: {  	[spmem:s11] =	stream.linear.scatter [tilespmem:s21], [sflag:$0x1], $0x1400, $0x38;
	[tilespmem:$0x1AB00] =	vst v63  }
0x2f: {  	_ =	swait.ge [sflag:s22], $0x1400  }
0x30: {  	[sflag:s22] =	ssyncset.done $0x0  }
0x31: {  	[sflag:s22] =	ssyncadd.s32 $0xFFFFEC00  }
0x32: {  	[spmem:s12] =	stream.linear.scatter [tilespmem:s23], [sflag:$0x1], $0x280, $0x38;
	[tilespmem:$0x1AB00] =	vst v63  }
0x33: {  	_ =	swait.ge [sflag:s22], $0x280  }
0x34: {  	[sflag:s22] =	ssyncset.done $0x0  }
0x35: {  	[sflag:s22] =	ssyncadd.s32 $0xFFFFFD80  }
0x36: {  	[tilespmem:s24], [sflag:$0x1] =	stream.linear.gather [hbm4b:s7+s4], $0x100, $0x38;
	[tilespmem:$0x1AB00] =	vst v63  }
0x37: {  	_ =	swait.ge [sflag:s22], $0x100  }
0x38: {  	[sflag:s22] =	ssyncset.done $0x0  }
0x39: {  	[sflag:s22] =	ssyncadd.s32 $0xFFFFFF00  }
0x3a: {  	s29 =	sadd.s32 $0x0, s20;
	[bflag:$0x0] =	sbarrier.arrive $0xFFFF  }
0x3b: {  	[tilespmem:s4], [sflag:$0x1] =	stream.linear.gather [hbm4b:s29+s4], $0xC8, $0x38;
	[tilespmem:$0x1AB00] =	vst v63  }
0x3c: {  	_ =	swait.ge [sflag:s22], $0xC8  }
0x3d: {  	[sflag:s22] =	ssyncset.done $0x0  }
0x3e: {  	[sflag:s22] =	ssyncadd.s32 $0xFFFFFF38  }
0x3f: {  	[tilespmem:s21], [sflag:$0x1] =	stream.linear.gather [hbm4b:s19+s4], $0x6400, $0x38;
	[tilespmem:$0x1AB00] =	vst v63  }
0x40: {  	_ =	swait.ge [sflag:s22], $0x6400  }
0x41: {  	[sflag:s22] =	ssyncset.done $0x0  }
0x42: {  	[sflag:s22] =	ssyncadd.s32 $0xFFFF9C00  }
0x43: {  	[spmem:s1] =	stream.indirect.scatter.add.f32 [tilespmem:s21], [sflag:$0x1], $0x80, s4, s25, $0xb8;
	[tilespmem:$0x1AB00] =	vst v63  }
0x44: {  	_ =	swait.ge [sflag:s22], $0x6400  }
0x45: {  	[sflag:s22] =	ssyncset.done $0x0  }
0x46: {  	[sflag:s22] =	ssyncadd.s32 $0xFFFF9C00  }
0x47: {  	[spmem:s2] =	stream.indirect.scatter.add.f32 [tilespmem:s24], [sflag:$0x1], $0x1, s4, s25, $0xb8;
	[tilespmem:$0x1AB00] =	vst v63  }
0x48: {  	s30 =	simm.s32 $0x19;
	_ =	swait.ge [sflag:s22], $0xC8  }
0x49: {  	s31 =	simm.s32 $0x32;
	s29 =	sadd.s32 $0xC80, s19;
	[sflag:s22] =	ssyncset.done $0x0  }
.LBB2_2:
0x4a: {  	s0 =	sadd.s32 s30, s20  }
0x4b: {  	[sflag:s22] =	ssyncadd.s32 $0xFFFFFF38;
	s30 =	smov.u32 s31;
	s3 =	sadd.s32 $0x19, s31  }
0x4c: {  	[tilespmem:s4], [sflag:$0x1] =	stream.linear.gather [hbm4b:s0+s4], $0xC8, $0x38;
	[tilespmem:$0x1AB00] =	vst v63  }
0x4d: {  	p0 =	sne.s32 s31, $0x4C9;
	_ =	swait.ge [sflag:s22], $0xC8  }
0x4e: {  	[sflag:s22] =	ssyncset.done $0x0  }
0x4f: {  	[sflag:s22] =	ssyncadd.s32 $0xFFFFFF38  }
0x50: {  	[tilespmem:s21], [sflag:$0x1] =	stream.linear.gather [hbm4b:s29+s4], $0x6400, $0x38;
	[tilespmem:$0x1AB00] =	vst v63  }
0x51: {  	_ =	swait.ge [sflag:s22], $0x6400  }
0x52: {  	[sflag:s22] =	ssyncset.done $0x0  }
0x53: {  	[sflag:s22] =	ssyncadd.s32 $0xFFFF9C00  }
0x54: {  	[spmem:s1] =	stream.indirect.scatter.add.f32 [tilespmem:s21], [sflag:$0x1], $0x80, s4, s25, $0xb8;
	[tilespmem:$0x1AB00] =	vst v63  }
0x55: {  	_ =	swait.ge [sflag:s22], $0x6400  }
.Ltmp0:
0x56: {  	[sflag:s22] =	ssyncset.done $0x0;
	(pc) =	sbr.rel @p0 .LBB2_2-.Ltmp0, $4  }
0x57: {  	[sflag:s22] =	ssyncadd.s32 $0xFFFF9C00  }
0x58: {  	[spmem:s2] =	stream.indirect.scatter.add.f32 [tilespmem:s24], [sflag:$0x1], $0x1, s4, s25, $0xb8;
	[tilespmem:$0x1AB00] =	vst v63  }
0x59: {  	_ =	swait.ge [sflag:s22], $0xC8  }
0x5a: {  	s31 =	smov.u32 s3;
	s29 =	sadd.s32 $0xC80, s29;
	[sflag:s22] =	ssyncset.done $0x0  }
0x5b: {  	s0 =	sadd.s32 s30, s20;
	[sflag:s22] =	ssyncadd.s32 $0xFFFFFF38  }
0x5c: {  	[tilespmem:s4], [sflag:$0x1] =	stream.linear.gather [hbm4b:s0+s4], $0xC8, $0x38;
	[tilespmem:$0x1AB00] =	vst v63  }
0x5d: {  	_ =	swait.ge [sflag:s22], $0xC8  }
0x5e: {  	[sflag:s22] =	ssyncset.done $0x0  }
0x5f: {  	[sflag:s22] =	ssyncadd.s32 $0xFFFFFF38  }
0x60: {  	[tilespmem:s21], [sflag:$0x1] =	stream.linear.gather [hbm4b:s29+s4], $0x6400, $0x38;
	[tilespmem:$0x1AB00] =	vst v63  }
0x61: {  	_ =	swait.ge [sflag:s22], $0x6400  }
0x62: {  	[sflag:s22] =	ssyncset.done $0x0  }
0x63: {  	[sflag:s22] =	ssyncadd.s32 $0xFFFF9C00  }
0x64: {  	[spmem:s1] =	stream.indirect.scatter.add.f32 [tilespmem:s21], [sflag:$0x1], $0x80, s4, s25, $0xb8;
	[tilespmem:$0x1AB00] =	vst v63  }
0x65: {  	_ =	swait.ge [sflag:s22], $0x6400  }
0x66: {  	[sflag:s22] =	ssyncset.done $0x0  }
0x67: {  	[sflag:s22] =	ssyncadd.s32 $0xFFFF9C00  }
0x68: {  	[spmem:s2] =	stream.indirect.scatter.add.f32 [tilespmem:s24], [sflag:$0x1], $0x1, s4, s25, $0xb8;
	[tilespmem:$0x1AB00] =	vst v63  }
0x69: {  	_ =	swait.ge [sflag:s22], $0xC8  }
0x6a: {  	[sflag:s22] =	ssyncset.done $0x0  }
0x6b: {  	[sflag:s22] =	ssyncadd.s32 $0xFFFFFF38  }
0x6c: {  	[bflag:$0x0] =	sbarrier.arrive $0xFFFF  }
0x6d: {  	[tilespmem:s21], [sflag:$0x1] =	stream.linear.gather [spmem:s8], $0x6400, $0x38;
	[tilespmem:$0x1AB00] =	vst v63  }
0x6e: {  	_ =	swait.ge [sflag:s22], $0x6400  }
0x6f: {  	[sflag:s22] =	ssyncset.done $0x0  }
0x70: {  	[sflag:s22] =	ssyncadd.s32 $0xFFFF9C00  }
0x71: {  	[hbm4b:s13+s4] =	stream.linear.scatter [tilespmem:s21], [sflag:$0x1], $0x6400, $0x38;
	[tilespmem:$0x1AB00] =	vst v63  }
0x72: {  	_ =	swait.ge [sflag:s22], $0x6400  }
0x73: {  	[sflag:s22] =	ssyncset.done $0x0  }
0x74: {  	[sflag:s22] =	ssyncadd.s32 $0xFFFF9C00  }
0x75: {  	[tilespmem:s21], [sflag:$0x1] =	stream.linear.gather [spmem:s9], $0x6400, $0x38;
	[tilespmem:$0x1AB00] =	vst v63  }
0x76: {  	_ =	swait.ge [sflag:s22], $0x6400  }
0x77: {  	[sflag:s22] =	ssyncset.done $0x0  }
0x78: {  	[sflag:s22] =	ssyncadd.s32 $0xFFFF9C00  }
0x79: {  	[hbm4b:s14+s4] =	stream.linear.scatter [tilespmem:s21], [sflag:$0x1], $0x6400, $0x38;
	[tilespmem:$0x1AB00] =	vst v63  }
0x7a: {  	_ =	swait.ge [sflag:s22], $0x6400  }
0x7b: {  	[sflag:s22] =	ssyncset.done $0x0  }
0x7c: {  	[sflag:s22] =	ssyncadd.s32 $0xFFFF9C00  }
0x7d: {  	[tilespmem:s21], [sflag:$0x1] =	stream.linear.gather [spmem:s10], $0x6400, $0x38;
	[tilespmem:$0x1AB00] =	vst v63  }
0x7e: {  	_ =	swait.ge [sflag:s22], $0x6400  }
0x7f: {  	[sflag:s22] =	ssyncset.done $0x0  }
0x80: {  	[sflag:s22] =	ssyncadd.s32 $0xFFFF9C00  }
0x81: {  	[hbm4b:s15+s4] =	stream.linear.scatter [tilespmem:s21], [sflag:$0x1], $0x6400, $0x38;
	[tilespmem:$0x1AB00] =	vst v63  }
0x82: {  	_ =	swait.ge [sflag:s22], $0x6400  }
0x83: {  	[sflag:s22] =	ssyncset.done $0x0  }
0x84: {  	[sflag:s22] =	ssyncadd.s32 $0xFFFF9C00  }
0x85: {  	[tilespmem:s21], [sflag:$0x1] =	stream.linear.gather [spmem:s11], $0x1400, $0x38;
	[tilespmem:$0x1AB00] =	vst v63  }
0x86: {  	_ =	swait.ge [sflag:s22], $0x1400  }
0x87: {  	[sflag:s22] =	ssyncset.done $0x0  }
0x88: {  	[sflag:s22] =	ssyncadd.s32 $0xFFFFEC00  }
0x89: {  	[hbm4b:s16+s4] =	stream.linear.scatter [tilespmem:s21], [sflag:$0x1], $0x1400, $0x38;
	[tilespmem:$0x1AB00] =	vst v63  }
0x8a: {  	_ =	swait.ge [sflag:s22], $0x1400  }
0x8b: {  	[sflag:s22] =	ssyncset.done $0x0  }
0x8c: {  	[sflag:s22] =	ssyncadd.s32 $0xFFFFEC00  }
0x8d: {  	[tilespmem:s23], [sflag:$0x1] =	stream.linear.gather [spmem:s12], $0x280, $0x38;
	[tilespmem:$0x1AB00] =	vst v63  }
0x8e: {  	s28 =	sadd.s32 $0x1, s28;
	_ =	swait.ge [sflag:s22], $0x280  }
0x8f: {  	p0 =	sne.s32 s28, s18;
	[sflag:s22] =	ssyncset.done $0x0  }
.Ltmp1:
0x90: {  	[sflag:s22] =	ssyncadd.s32 $0xFFFFFD80;
	(pc) =	sbr.rel @p0 .LBB2_1-.Ltmp1, $4  }
0x91: {  	[hbm4b:s17+s26] =	stream.strided.scatter [tilespmem:s23], [sflag:$0x1], $0x280, s21, s26, $0x38;
	[tilespmem:$0x1AB00] =	vst v63  }
0x92: {  	_ =	swait.ge [sflag:s22], $0x280  }
0x93: {  	[sflag:s22] =	ssyncset.done $0x0  }
0x94: {  	[sflag:s22] =	ssyncadd.s32 $0xFFFFFD80  }
0x95: {  	_ =	sfence.sel $0x180000  }
0x96: {  	[bflag:$0x0] =	sbarrier.arrive $0xFFFF  }
0x97: {  	_ =	strace $0x90000047  }
0x98: {  	s0 =	stileid.u32;
	[bflag:$0x2] =	sbarrier.arrive $0xFFFF  }
0x99: {  	p0 =	sne.s32 s0, $0x0;
	s0 =	rddreg [dreg:$0x5]  }
0x9a: {  	s0 =	sadd.s32 @!p0 $0x100000, s0  }
0x9b: {  	[sflag:s0] =	ssyncadd.tile.s32 @!p0 $0x1;
	_ =	shalt  }
.Lfunc_end2:
_tile_overlayer_lowered:
.L_overlay_start_2:
0x9c: {  	(tag) =	ssettag $0x2  }
0x9d: {  	s0 =	rddreg [dreg:$0x0];
	s2 =	stileid.u32  }
0x9e: {  	s1 =	rddreg [dreg:$0x1];
	p0 =	sne.s32 s2, $0x0  }
0x9f: {  	s3 =	rddreg [dreg:$0x2];
	[bflag:$0x3] =	sbarrier.arrive $0xFFFF;
	s2 =	simm.s32 @!p0 $0x1C01  }
0xa0: {  	[timem:s3], [sflag:s2] =	dma.local @!p0 [hbm:s0], s1  }
0xa1: {  	s0 =	simm.s32 @!p0 $0x1  }
0xa2: {  	_ =	swait.ge @!p0 [sflag:s0], s1  }
0xa3: {  	s1 =	ssub.s32 @!p0 $0x0, s1;
	[sflag:s0] =	ssyncset.done @!p0 $0x0  }
0xa4: {  	[sflag:s0] =	ssyncadd.s32 @!p0 s1  }
0xa5: {  	[bflag:$0x3] =	sbarrier.arrive $0xFFFF  }
0xa6: {  	_ =	shalt  }

</sc_bundles>
